<compile_context>
chip_gen: v7x
topology: tpu7x:2x2x1
jax: 0.10.2.dev20260603
libtpu: 0.0.44.dev20260713+nightly
codegen_flags: <defaults>
</compile_context>

<pallas_src>
import functools

import jax
import jax.numpy as jnp
from jax import lax
from jax.experimental import pallas as pl
from jax.experimental.pallas import tpu as pltpu
from jax.experimental.pallas import tpu_sc as plsc

N_NODES = 10000
N_EDGES = 320000
D = 128
MSG_D = 2 * D
UPD_D = 4 * D
LEAKY_SLOPE = 0.01

SC_CORES = 2
SC_SUBCORES = 16
NW = SC_CORES * SC_SUBCORES

CH = 128
NCHUNK = N_EDGES // CH
STRIPE = 624
STRIPE_REM = N_NODES - STRIPE * SC_SUBCORES


def _sc_mesh():
    return plsc.VectorSubcoreMesh(
        core_axis_name="c", subcore_axis_name="s",
        num_cores=SC_CORES, num_subcores=SC_SUBCORES)


@functools.cache
def _sc_gather_fn(n_edges):
    nchunk = n_edges // CH
    jmax = -(-nchunk // NW)
    njp = ((jmax + 2 + 1) // 2) * 2

    @functools.partial(
        pl.kernel,
        out_type=jax.ShapeDtypeStruct((n_edges, D), jnp.float32),
        mesh=_sc_mesh(),
        scratch_types=[
            pltpu.VMEM((CH,), jnp.int32), pltpu.VMEM((CH,), jnp.int32),
            pltpu.VMEM((CH, D), jnp.float32), pltpu.VMEM((CH, D), jnp.float32),
            pltpu.SemaphoreType.DMA, pltpu.SemaphoreType.DMA,
            pltpu.SemaphoreType.DMA, pltpu.SemaphoreType.DMA,
            pltpu.SemaphoreType.DMA, pltpu.SemaphoreType.DMA,
        ],
    )
    def _sc_gather(xs_hbm, src_hbm, out_hbm, idx0, idx1, rows0, rows1,
                   si0, si1, sg0, sg1, so0, so1):
        wid = lax.axis_index("s") * SC_CORES + lax.axis_index("c")
        idx = (idx0, idx1)
        rows = (rows0, rows1)
        si = (si0, si1)
        sg = (sg0, sg1)
        so = (so0, so1)

        def chunk(j):
            return wid + j * NW

        pltpu.async_copy(src_hbm.at[pl.ds(chunk(0) * CH, CH)], idx[0], si[0])

        @pl.loop(0, njp, step=2)
        def _(j0):
            for b in range(2):
                nb = 1 - b
                j = j0 + b
                k = chunk(j)
                kp = chunk(j - 1)
                kn = chunk(j + 1)

                @pl.when(jnp.logical_and(j >= 1, kp < nchunk))
                def _():
                    pltpu.make_async_copy(
                        xs_hbm.at[pl.ds(0, CH)], rows[nb], sg[nb]).wait()
                    pltpu.async_copy(
                        rows[nb], out_hbm.at[pl.ds(kp * CH, CH)], so[nb])

                @pl.when(jnp.logical_and(j >= 2, chunk(j - 2) < nchunk))
                def _():
                    pltpu.make_async_copy(
                        rows[b], out_hbm.at[pl.ds(0, CH)], so[b]).wait()

                @pl.when(kn < nchunk)
                def _():
                    pltpu.async_copy(
                        src_hbm.at[pl.ds(kn * CH, CH)], idx[nb], si[nb])

                @pl.when(k < nchunk)
                def _():
                    pltpu.make_async_copy(
                        src_hbm.at[pl.ds(0, CH)], idx[b], si[b]).wait()
                    pltpu.async_copy(xs_hbm.at[idx[b]], rows[b], sg[b])

    return _sc_gather


@functools.cache
def _sc_scatter_fn(n_edges):
    nchunk = n_edges // CH
    jmax = -(-nchunk // SC_SUBCORES)
    njp = ((jmax + 3 + 2) // 3) * 3

    @functools.partial(
        pl.kernel,
        out_type=(jax.ShapeDtypeStruct((N_NODES, D), jnp.float32),
                  jax.ShapeDtypeStruct((N_NODES, D), jnp.float32)),
        mesh=_sc_mesh(),
        scratch_types=[
            pltpu.VMEM((CH,), jnp.int32), pltpu.VMEM((CH,), jnp.int32),
            pltpu.VMEM((CH,), jnp.int32),
            pltpu.VMEM((CH, D), jnp.float32), pltpu.VMEM((CH, D), jnp.float32),
            pltpu.VMEM((CH, D), jnp.float32),
            pltpu.VMEM_SHARED((N_NODES, D), jnp.float32),
            pltpu.SemaphoreType.DMA, pltpu.SemaphoreType.DMA,
            pltpu.SemaphoreType.DMA, pltpu.SemaphoreType.DMA,
            pltpu.SemaphoreType.DMA, pltpu.SemaphoreType.DMA,
            pltpu.SemaphoreType.DMA, pltpu.SemaphoreType.DMA,
            pltpu.SemaphoreType.DMA,
        ],
    )
    def _sc_scatter(ha_hbm, hb_hbm, tgt_hbm, za_hbm, zb_hbm,
                    outa_hbm, outb_hbm,
                    idx0, idx1, idx2, rows0, rows1, rows2, acc_sh,
                    si0, si1, si2, sr0, sr1, sr2, sa0, sa1, sa2):
        cid = lax.axis_index("c")
        sid = lax.axis_index("s")
        idx = (idx0, idx1, idx2)
        rows = (rows0, rows1, rows2)
        si = (si0, si1, si2)
        sr = (sr0, sr1, sr2)
        sa = (sa0, sa1, sa2)
        stripe = sid * STRIPE
        rem = STRIPE * SC_SUBCORES

        def chunk(j):
            return sid + j * SC_SUBCORES

        def init(prev_hbm):
            pltpu.sync_copy(prev_hbm.at[pl.ds(stripe, STRIPE)],
                            acc_sh.at[pl.ds(stripe, STRIPE)])

            @pl.when(sid == 0)
            def _():
                pltpu.sync_copy(prev_hbm.at[pl.ds(rem, STRIPE_REM)],
                                acc_sh.at[pl.ds(rem, STRIPE_REM)])

        def ring(h_hbm):
            @pl.loop(0, njp, step=3)
            def _(j0):
                for b in range(3):
                    j = j0 + b
                    k = chunk(j)

                    @pl.when(jnp.logical_and(j >= 3, chunk(j - 3) < nchunk))
                    def _():
                        pltpu.make_async_copy(
                            rows[b], acc_sh.at[pl.ds(0, CH)], sa[b]).wait()

                    @pl.when(k < nchunk)
                    def _():
                        pltpu.async_copy(
                            tgt_hbm.at[pl.ds(k * CH, CH)], idx[b], si[b])
                        pltpu.async_copy(
                            h_hbm.at[pl.ds(k * CH, CH)], rows[b], sr[b])
                        pltpu.make_async_copy(
                            tgt_hbm.at[pl.ds(0, CH)], idx[b], si[b]).wait()
                        pltpu.make_async_copy(
                            h_hbm.at[pl.ds(0, CH)], rows[b], sr[b]).wait()
                        pltpu.async_copy(rows[b], acc_sh.at[idx[b]], sa[b],
                                         add=True)

        def drain(out_hbm):
            pltpu.sync_copy(acc_sh.at[pl.ds(stripe, STRIPE)],
                            out_hbm.at[pl.ds(stripe, STRIPE)])

            @pl.when(sid == 0)
            def _():
                pltpu.sync_copy(acc_sh.at[pl.ds(rem, STRIPE_REM)],
                                out_hbm.at[pl.ds(rem, STRIPE_REM)])

        @pl.when(cid == 0)
        def _():
            init(za_hbm)

        @pl.when(cid == 1)
        def _():
            init(zb_hbm)

        plsc.subcore_barrier()

        @pl.when(cid == 0)
        def _():
            ring(ha_hbm)

        @pl.when(cid == 1)
        def _():
            ring(hb_hbm)

        plsc.subcore_barrier()

        @pl.when(cid == 0)
        def _():
            drain(outa_hbm)

        @pl.when(cid == 1)
        def _():
            drain(outb_hbm)

    return _sc_scatter


EB = 4000


def _msg_body(g_ref, e_ref, w1at_ref, w1bt_ref, b1_ref, w2t_ref,
              b2_ref, oa_ref, ob_ref):
    h = jnp.dot(g_ref[...].astype(jnp.bfloat16),
                w1at_ref[...].astype(jnp.bfloat16),
                preferred_element_type=jnp.float32)
    h = h + jnp.dot(e_ref[...].astype(jnp.bfloat16),
                    w1bt_ref[...].astype(jnp.bfloat16),
                    preferred_element_type=jnp.float32)
    h = h + b1_ref[...]
    h = jnp.where(h > 0, h, LEAKY_SLOPE * h)
    out = jnp.dot(h.astype(jnp.bfloat16), w2t_ref[...].astype(jnp.bfloat16),
                  preferred_element_type=jnp.float32) + b2_ref[...]
    oa_ref[...] = out[:, :D]
    ob_ref[...] = out[:, D:]


def _tc_message(g, edge_attr, w1at, w1bt, b1r, w2t, b2r):
    n_edges = g.shape[0]
    full = lambda shape: pl.BlockSpec(shape, lambda i: (0, 0))
    return pl.pallas_call(
        _msg_body,
        grid=(n_edges // EB,),
        in_specs=[
            pl.BlockSpec((EB, D), lambda i: (i, 0)),
            pl.BlockSpec((EB, D), lambda i: (i, 0)),
            full((D, MSG_D)),
            full((D, MSG_D)),
            full((1, MSG_D)),
            full((MSG_D, MSG_D)),
            full((1, MSG_D)),
        ],
        out_specs=(pl.BlockSpec((EB, D), lambda i: (i, 0)),
                   pl.BlockSpec((EB, D), lambda i: (i, 0))),
        out_shape=(jax.ShapeDtypeStruct((n_edges, D), jnp.float32),
                   jax.ShapeDtypeStruct((n_edges, D), jnp.float32)),
    )(g, edge_attr, w1at, w1bt, b1r, w2t, b2r)


def _upd_body(xt_ref, agga_ref, aggb_ref, xu_ref, u1at_ref, u1bta_ref,
              u1btb_ref, u1ct_ref, c1_ref, u2t_ref, c2_ref, gamma_ref,
              beta_ref, o_ref):
    t = jnp.dot(xt_ref[...], u1at_ref[...], preferred_element_type=jnp.float32)
    t = t + jnp.dot(agga_ref[...], u1bta_ref[...], preferred_element_type=jnp.float32)
    t = t + jnp.dot(aggb_ref[...], u1btb_ref[...], preferred_element_type=jnp.float32)
    t = t + jnp.dot(xu_ref[...], u1ct_ref[...], preferred_element_type=jnp.float32)
    t = t + c1_ref[...]
    t = jnp.where(t > 0, t, LEAKY_SLOPE * t)
    u = jnp.dot(t, u2t_ref[...], preferred_element_type=jnp.float32) + c2_ref[...]
    mean = jnp.mean(u, axis=0, keepdims=True)
    var = jnp.mean((u - mean) ** 2, axis=0, keepdims=True)
    o_ref[...] = (u - mean) * lax.rsqrt(var + 1e-5) * gamma_ref[...] + beta_ref[...]


def _tc_update(x_t, agga, aggb, xur, u1at, u1bta, u1btb, u1ct, c1r, u2t, c2r,
               gammar, betar):
    return pl.pallas_call(
        _upd_body,
        out_shape=jax.ShapeDtypeStruct((N_NODES, D), jnp.float32),
    )(x_t, agga, aggb, xur, u1at, u1bta, u1btb, u1ct, c1r, u2t, c2r,
      gammar, betar)


def kernel(x_s, x_t, edge_index, edge_attr, x_u, W1, b1, W2, b2,
           U1, c1, U2, c2, gamma, beta):
    src = edge_index[0]
    tgt = edge_index[1]

    w1t = W1.T
    w1at, w1bt = w1t[:D], w1t[D:]
    u1t = U1.T
    u1at = u1t[:D]
    u1bta, u1btb = u1t[D:D + D], u1t[D + D:D + MSG_D]
    u1ct = u1t[D + MSG_D:]
    u2t = U2.T

    S = 1
    ES = N_EDGES // S
    gather = _sc_gather_fn(ES)
    scatter = _sc_scatter_fn(ES)
    b1r = b1.reshape(1, -1)
    b2r = b2.reshape(1, -1)
    w2t = W2.T
    zeros = jnp.zeros((N_NODES, D), jnp.float32)
    agga, aggb = zeros, zeros
    for k in range(S):
        sl = slice(k * ES, (k + 1) * ES)
        g_k = gather(x_s, src[sl])
        ha_k, hb_k = _tc_message(g_k, edge_attr[sl], w1at, w1bt, b1r, w2t, b2r)
        agga, aggb = scatter(ha_k, hb_k, tgt[sl], agga, aggb)
    out = _tc_update(x_t, agga, aggb, x_u.reshape(1, -1), u1at, u1bta, u1btb,
                     u1ct, c1.reshape(1, -1), u2t, c2.reshape(1, -1),
                     gamma.reshape(1, -1), beta.reshape(1, -1))
    return out

# --- scband reference (transcript-rebuilt; emitter-appended) ---
"""Pipeline reference for scband-target-model-9122510536839 (READ-ONLY COPY).

The authoritative reference and input builder live on the scoring server;
editing this copy changes nothing except your own understanding.
"""

import jax, jax.numpy as jnp
import numpy as np

N_NODES = 10000
N_EDGES = 320000
D = 128  # lifted_dim
MSG_D = 2 * D
UPD_D = 4 * D
LEAKY_SLOPE = 0.01


def setup_inputs(seed: int = 0) -> dict:
    key = jax.random.key(seed)
    ks = jax.random.split(key, 16)
    x_s = jax.random.normal(ks[0], (N_NODES, D), dtype=jnp.float32)
    x_t = jax.random.normal(ks[1], (N_NODES, D), dtype=jnp.float32)
    edge_index = jax.random.randint(ks[2], (2, N_EDGES), 0, N_NODES, dtype=jnp.int32)
    edge_attr = jax.random.normal(ks[3], (N_EDGES, D), dtype=jnp.float32)
    x_u = jax.random.normal(ks[4], (D,), dtype=jnp.float32)
    # message_mlp: Linear(2D,2D) -> LeakyReLU -> Linear(2D,2D)
    W1 = jax.random.normal(ks[5], (MSG_D, MSG_D), dtype=jnp.float32) / np.sqrt(MSG_D)
    b1 = jnp.zeros((MSG_D,), dtype=jnp.float32)
    W2 = jax.random.normal(ks[6], (MSG_D, MSG_D), dtype=jnp.float32) / np.sqrt(MSG_D)
    b2 = jnp.zeros((MSG_D,), dtype=jnp.float32)
    # update_mlp: Linear(4D,4D) -> LeakyReLU -> Linear(4D,D)
    U1 = jax.random.normal(ks[7], (UPD_D, UPD_D), dtype=jnp.float32) / np.sqrt(UPD_D)
    c1 = jnp.zeros((UPD_D,), dtype=jnp.float32)
    U2 = jax.random.normal(ks[8], (D, UPD_D), dtype=jnp.float32) / np.sqrt(UPD_D)
    c2 = jnp.zeros((D,), dtype=jnp.float32)
    # BatchNorm1d affine params
    gamma = jnp.ones((D,), dtype=jnp.float32)
    beta = jnp.zeros((D,), dtype=jnp.float32)
    return {"x_s": x_s, "x_t": x_t, "edge_index": edge_index, "edge_attr": edge_attr,
            "x_u": x_u, "W1": W1, "b1": b1, "W2": W2, "b2": b2,
            "U1": U1, "c1": c1, "U2": U2, "c2": c2, "gamma": gamma, "beta": beta}


def reference(x_s, x_t, edge_index, edge_attr, x_u, W1, b1, W2, b2, U1, c1, U2, c2, gamma, beta):
    src = edge_index[0]
    tgt = edge_index[1]
    # message: cat([x_s[src], edge_attr]) -> MLP
    msg = jnp.concatenate([jnp.take(x_s, src, axis=0), edge_attr], axis=1)
    h = msg @ W1.T + b1
    h = jax.nn.leaky_relu(h, negative_slope=LEAKY_SLOPE)
    h = h @ W2.T + b2
    # scatter_add over target nodes
    agg = jax.ops.segment_sum(h, tgt, num_segments=x_t.shape[0])
    # update: cat([x_t, agg, x_u broadcast]) -> MLP
    xu = jnp.broadcast_to(x_u, (x_t.shape[0], x_u.shape[0]))
    h_cat = jnp.concatenate([x_t, agg, xu], axis=-1)
    u = h_cat @ U1.T + c1
    u = jax.nn.leaky_relu(u, negative_slope=LEAKY_SLOPE)
    u = u @ U2.T + c2
    # BatchNorm1d (training mode: batch statistics, biased variance)
    mean = jnp.mean(u, axis=0)
    var = jnp.var(u, axis=0)
    out = (u - mean) / jnp.sqrt(var + 1e-5) * gamma + beta
    return out

if __name__ == "__main__":
    import jax
    _d = setup_inputs()
    print(jax.jit(kernel)(*tuple(_d.values())))

</pallas_src>

<mosaic_0001>
#map = affine_map<(d0, d1) -> (0, 0)>
#map1 = affine_map<(d0, d1) -> (0)>
module attributes {stable_mosaic.version = 14 : i64} {
  func.func @_sc_scatter(%arg0: i32, %arg1: i32, %arg2: memref<320000x128xf32, #tpu.memory_space<hbm>>, %arg3: memref<320000x128xf32, #tpu.memory_space<hbm>>, %arg4: memref<320000xi32, #tpu.memory_space<hbm>>, %arg5: memref<10000x128xf32, #tpu.memory_space<hbm>>, %arg6: memref<10000x128xf32, #tpu.memory_space<hbm>>, %arg7: memref<10000x128xf32, #tpu.memory_space<hbm>>, %arg8: memref<10000x128xf32, #tpu.memory_space<hbm>>, %arg9: memref<128xi32, #tpu.memory_space<vmem>>, %arg10: memref<128xi32, #tpu.memory_space<vmem>>, %arg11: memref<128xi32, #tpu.memory_space<vmem>>, %arg12: memref<128x128xf32, #tpu.memory_space<vmem>>, %arg13: memref<128x128xf32, #tpu.memory_space<vmem>>, %arg14: memref<128x128xf32, #tpu.memory_space<vmem>>, %arg15: memref<10000x128xf32, #tpu.memory_space<vmem_shared>>, %arg16: memref<!tpu.dma_semaphore, #tpu.memory_space<semaphore_mem>>, %arg17: memref<!tpu.dma_semaphore, #tpu.memory_space<semaphore_mem>>, %arg18: memref<!tpu.dma_semaphore, #tpu.memory_space<semaphore_mem>>, %arg19: memref<!tpu.dma_semaphore, #tpu.memory_space<semaphore_mem>>, %arg20: memref<!tpu.dma_semaphore, #tpu.memory_space<semaphore_mem>>, %arg21: memref<!tpu.dma_semaphore, #tpu.memory_space<semaphore_mem>>, %arg22: memref<!tpu.dma_semaphore, #tpu.memory_space<semaphore_mem>>, %arg23: memref<!tpu.dma_semaphore, #tpu.memory_space<semaphore_mem>>, %arg24: memref<!tpu.dma_semaphore, #tpu.memory_space<semaphore_mem>>) attributes {dimension_semantics = [#tpu.dimension_semantics<core_parallel>, #tpu.dimension_semantics<subcore_parallel>], iteration_bounds = array<i64: 2, 16>, scalar_prefetch = 0 : i64, scratch_operands = 16 : i64, tpu.core_type = #tpu.core_type<sc_vector_subcore>, window_params = [{transform_indices = #map}, {transform_indices = #map}, {transform_indices = #map1}, {transform_indices = #map}, {transform_indices = #map}, {transform_indices = #map}, {transform_indices = #map}]} {
    %mul3A = arith.constant 624 : i32
    %mul3A_0 = arith.muli %arg1, %mul3A : i32
    %eq3A = arith.constant 0 : i32
    %eq3A_1 = arith.cmpi eq, %arg0, %eq3A : i32
    %convert_element_type3A = arith.extui %eq3A_1 : i1 to i32
    %cond3A = arith.constant 0 : i32
    %cond3A_2 = arith.cmpi ne, %convert_element_type3A, %cond3A : i32
    scf.if %cond3A_2 {
      "tpu.region"() ({
        %run_scoped3A = tpu.sem_alloc : memref<!tpu.dma_semaphore, #tpu.memory_space<semaphore_mem>>
        %dma_start3A = arith.constant 0 : i32
        %dma_start3A_34 = tpu.memref_slice %arg15[%mul3A_0, %dma_start3A] : memref<10000x128xf32, #tpu.memory_space<vmem_shared>> -> memref<624x128xf32, #tpu.memory_space<vmem_shared>>
        %dma_start3A_35 = arith.constant 0 : i32
        %dma_start3A_36 = tpu.memref_slice %arg5[%mul3A_0, %dma_start3A_35] : memref<10000x128xf32, #tpu.memory_space<hbm>> -> memref<624x128xf32, #tpu.memory_space<hbm>>
        tpu.enqueue_dma source(%dma_start3A_36 : memref<624x128xf32, #tpu.memory_space<hbm>>) target(%dma_start3A_34 : memref<624x128xf32, #tpu.memory_space<vmem_shared>>) target_semaphore(%run_scoped3A : memref<!tpu.dma_semaphore, #tpu.memory_space<semaphore_mem>>)
        %dma_wait3A = arith.constant 0 : i32
        %dma_wait3A_37 = tpu.memref_slice %arg15[%mul3A_0, %dma_wait3A] : memref<10000x128xf32, #tpu.memory_space<vmem_shared>> -> memref<624x128xf32, #tpu.memory_space<vmem_shared>>
        %dma_wait3A_38 = arith.constant 0 : i32
        %dma_wait3A_39 = tpu.memref_slice %arg5[%mul3A_0, %dma_wait3A_38] : memref<10000x128xf32, #tpu.memory_space<hbm>> -> memref<624x128xf32, #tpu.memory_space<hbm>>
        tpu.wait_dma2 semaphore(%run_scoped3A : memref<!tpu.dma_semaphore, #tpu.memory_space<semaphore_mem>>) src(%dma_wait3A_39 : memref<624x128xf32, #tpu.memory_space<hbm>>) dst(%dma_wait3A_37 : memref<624x128xf32, #tpu.memory_space<vmem_shared>>)
        tpu.yield
      }) : () -> ()
      %eq3A_29 = arith.constant 0 : i32
      %eq3A_30 = arith.cmpi eq, %arg1, %eq3A_29 : i32
      %convert_element_type3A_31 = arith.extui %eq3A_30 : i1 to i32
      %cond3A_32 = arith.constant 0 : i32
      %cond3A_33 = arith.cmpi ne, %convert_element_type3A_31, %cond3A_32 : i32
      scf.if %cond3A_33 {
        "tpu.region"() ({
          %run_scoped3A = tpu.sem_alloc : memref<!tpu.dma_semaphore, #tpu.memory_space<semaphore_mem>>
          %dma_start3A = arith.constant 9984 : i32
          %dma_start3A_34 = arith.constant 0 : i32
          %dma_start3A_35 = tpu.memref_slice %arg15[%dma_start3A, %dma_start3A_34] : memref<10000x128xf32, #tpu.memory_space<vmem_shared>> -> memref<16x128xf32, #tpu.memory_space<vmem_shared>>
          %dma_start3A_36 = arith.constant 9984 : i32
          %dma_start3A_37 = arith.constant 0 : i32
          %dma_start3A_38 = tpu.memref_slice %arg5[%dma_start3A_36, %dma_start3A_37] : memref<10000x128xf32, #tpu.memory_space<hbm>> -> memref<16x128xf32, #tpu.memory_space<hbm>>
          tpu.enqueue_dma source(%dma_start3A_38 : memref<16x128xf32, #tpu.memory_space<hbm>>) target(%dma_start3A_35 : memref<16x128xf32, #tpu.memory_space<vmem_shared>>) target_semaphore(%run_scoped3A : memref<!tpu.dma_semaphore, #tpu.memory_space<semaphore_mem>>)
          %dma_wait3A = arith.constant 9984 : i32
          %dma_wait3A_39 = arith.constant 0 : i32
          %dma_wait3A_40 = tpu.memref_slice %arg15[%dma_wait3A, %dma_wait3A_39] : memref<10000x128xf32, #tpu.memory_space<vmem_shared>> -> memref<16x128xf32, #tpu.memory_space<vmem_shared>>
          %dma_wait3A_41 = arith.constant 9984 : i32
          %dma_wait3A_42 = arith.constant 0 : i32
          %dma_wait3A_43 = tpu.memref_slice %arg5[%dma_wait3A_41, %dma_wait3A_42] : memref<10000x128xf32, #tpu.memory_space<hbm>> -> memref<16x128xf32, #tpu.memory_space<hbm>>
          tpu.wait_dma2 semaphore(%run_scoped3A : memref<!tpu.dma_semaphore, #tpu.memory_space<semaphore_mem>>) src(%dma_wait3A_43 : memref<16x128xf32, #tpu.memory_space<hbm>>) dst(%dma_wait3A_40 : memref<16x128xf32, #tpu.memory_space<vmem_shared>>)
          tpu.yield
        }) : () -> ()
      } else {
      }
    } else {
    }
    %eq3A_3 = arith.constant 1 : i32
    %eq3A_4 = arith.cmpi eq, %arg0, %eq3A_3 : i32
    %convert_element_type3A_5 = arith.extui %eq3A_4 : i1 to i32
    %cond3A_6 = arith.constant 0 : i32
    %cond3A_7 = arith.cmpi ne, %convert_element_type3A_5, %cond3A_6 : i32
    scf.if %cond3A_7 {
      "tpu.region"() ({
        %run_scoped3A = tpu.sem_alloc : memref<!tpu.dma_semaphore, #tpu.memory_space<semaphore_mem>>
        %dma_start3A = arith.constant 0 : i32
        %dma_start3A_34 = tpu.memref_slice %arg15[%mul3A_0, %dma_start3A] : memref<10000x128xf32, #tpu.memory_space<vmem_shared>> -> memref<624x128xf32, #tpu.memory_space<vmem_shared>>
        %dma_start3A_35 = arith.constant 0 : i32
        %dma_start3A_36 = tpu.memref_slice %arg6[%mul3A_0, %dma_start3A_35] : memref<10000x128xf32, #tpu.memory_space<hbm>> -> memref<624x128xf32, #tpu.memory_space<hbm>>
        tpu.enqueue_dma source(%dma_start3A_36 : memref<624x128xf32, #tpu.memory_space<hbm>>) target(%dma_start3A_34 : memref<624x128xf32, #tpu.memory_space<vmem_shared>>) target_semaphore(%run_scoped3A : memref<!tpu.dma_semaphore, #tpu.memory_space<semaphore_mem>>)
        %dma_wait3A = arith.constant 0 : i32
        %dma_wait3A_37 = tpu.memref_slice %arg15[%mul3A_0, %dma_wait3A] : memref<10000x128xf32, #tpu.memory_space<vmem_shared>> -> memref<624x128xf32, #tpu.memory_space<vmem_shared>>
        %dma_wait3A_38 = arith.constant 0 : i32
        %dma_wait3A_39 = tpu.memref_slice %arg6[%mul3A_0, %dma_wait3A_38] : memref<10000x128xf32, #tpu.memory_space<hbm>> -> memref<624x128xf32, #tpu.memory_space<hbm>>
        tpu.wait_dma2 semaphore(%run_scoped3A : memref<!tpu.dma_semaphore, #tpu.memory_space<semaphore_mem>>) src(%dma_wait3A_39 : memref<624x128xf32, #tpu.memory_space<hbm>>) dst(%dma_wait3A_37 : memref<624x128xf32, #tpu.memory_space<vmem_shared>>)
        tpu.yield
      }) : () -> ()
      %eq3A_29 = arith.constant 0 : i32
      %eq3A_30 = arith.cmpi eq, %arg1, %eq3A_29 : i32
      %convert_element_type3A_31 = arith.extui %eq3A_30 : i1 to i32
      %cond3A_32 = arith.constant 0 : i32
      %cond3A_33 = arith.cmpi ne, %convert_element_type3A_31, %cond3A_32 : i32
      scf.if %cond3A_33 {
        "tpu.region"() ({
          %run_scoped3A = tpu.sem_alloc : memref<!tpu.dma_semaphore, #tpu.memory_space<semaphore_mem>>
          %dma_start3A = arith.constant 9984 : i32
          %dma_start3A_34 = arith.constant 0 : i32
          %dma_start3A_35 = tpu.memref_slice %arg15[%dma_start3A, %dma_start3A_34] : memref<10000x128xf32, #tpu.memory_space<vmem_shared>> -> memref<16x128xf32, #tpu.memory_space<vmem_shared>>
          %dma_start3A_36 = arith.constant 9984 : i32
          %dma_start3A_37 = arith.constant 0 : i32
          %dma_start3A_38 = tpu.memref_slice %arg6[%dma_start3A_36, %dma_start3A_37] : memref<10000x128xf32, #tpu.memory_space<hbm>> -> memref<16x128xf32, #tpu.memory_space<hbm>>
          tpu.enqueue_dma source(%dma_start3A_38 : memref<16x128xf32, #tpu.memory_space<hbm>>) target(%dma_start3A_35 : memref<16x128xf32, #tpu.memory_space<vmem_shared>>) target_semaphore(%run_scoped3A : memref<!tpu.dma_semaphore, #tpu.memory_space<semaphore_mem>>)
          %dma_wait3A = arith.constant 9984 : i32
          %dma_wait3A_39 = arith.constant 0 : i32
          %dma_wait3A_40 = tpu.memref_slice %arg15[%dma_wait3A, %dma_wait3A_39] : memref<10000x128xf32, #tpu.memory_space<vmem_shared>> -> memref<16x128xf32, #tpu.memory_space<vmem_shared>>
          %dma_wait3A_41 = arith.constant 9984 : i32
          %dma_wait3A_42 = arith.constant 0 : i32
          %dma_wait3A_43 = tpu.memref_slice %arg6[%dma_wait3A_41, %dma_wait3A_42] : memref<10000x128xf32, #tpu.memory_space<hbm>> -> memref<16x128xf32, #tpu.memory_space<hbm>>
          tpu.wait_dma2 semaphore(%run_scoped3A : memref<!tpu.dma_semaphore, #tpu.memory_space<semaphore_mem>>) src(%dma_wait3A_43 : memref<16x128xf32, #tpu.memory_space<hbm>>) dst(%dma_wait3A_40 : memref<16x128xf32, #tpu.memory_space<vmem_shared>>)
          tpu.yield
        }) : () -> ()
      } else {
      }
    } else {
    }
    %barrier3A = arith.constant 0 : index
    tpu.barrier barrier_id(%barrier3A)
    %eq3A_8 = arith.constant 0 : i32
    %eq3A_9 = arith.cmpi eq, %arg0, %eq3A_8 : i32
    %convert_element_type3A_10 = arith.extui %eq3A_9 : i1 to i32
    %cond3A_11 = arith.constant 0 : i32
    %cond3A_12 = arith.cmpi ne, %convert_element_type3A_10, %cond3A_11 : i32
    scf.if %cond3A_12 {
      %scan3A = arith.constant 0 : i32
      %scan3A_29 = arith.constant 54 : i32
      %scan3A_30 = arith.addi %scan3A, %scan3A_29 : i32
      %scan3A_31 = arith.constant 1 : i32
      scf.for %scan3A_33 = %scan3A to %scan3A_30 step %scan3A_31  : i32 {
        %mul3A_34 = arith.constant 3 : i32
        %mul3A_35 = arith.muli %scan3A_33, %mul3A_34 : i32
        %add3A = arith.constant 0 : i32
        %add3A_36 = arith.addi %add3A, %mul3A_35 : i32
        %add3A_37 = arith.constant 0 : i32
        %add3A_38 = arith.addi %add3A_36, %add3A_37 : i32
        %mul3A_39 = arith.constant 16 : i32
        %mul3A_40 = arith.muli %add3A_38, %mul3A_39 : i32
        %add3A_41 = arith.addi %arg1, %mul3A_40 : i32
        %ge3A = arith.constant 3 : i32
        %ge3A_42 = arith.cmpi sge, %add3A_38, %ge3A : i32
        %sub3A = arith.constant 3 : i32
        %sub3A_43 = arith.subi %add3A_38, %sub3A : i32
        %mul3A_44 = arith.constant 16 : i32
        %mul3A_45 = arith.muli %sub3A_43, %mul3A_44 : i32
        %add3A_46 = arith.addi %arg1, %mul3A_45 : i32
        %lt3A = arith.constant 2500 : i32
        %lt3A_47 = arith.cmpi slt, %add3A_46, %lt3A : i32
        %and3A = arith.andi %ge3A_42, %lt3A_47 : i1
        %convert_element_type3A_48 = arith.extui %and3A : i1 to i32
        %cond3A_49 = arith.constant 0 : i32
        %cond3A_50 = arith.cmpi ne, %convert_element_type3A_48, %cond3A_49 : i32
        scf.if %cond3A_50 {
          %dma_wait3A = arith.constant 0 : i32
          %dma_wait3A_102 = arith.constant 0 : i32
          %dma_wait3A_103 = tpu.memref_slice %arg15[%dma_wait3A, %dma_wait3A_102] : memref<10000x128xf32, #tpu.memory_space<vmem_shared>> -> memref<128x128xf32, #tpu.memory_space<vmem_shared>>
          %dma_wait3A_104 = arith.constant 0 : i32
          %dma_wait3A_105 = arith.constant 0 : i32
          %dma_wait3A_106 = tpu.memref_slice %arg15[%dma_wait3A_104, %dma_wait3A_105] : memref<10000x128xf32, #tpu.memory_space<vmem_shared>> -> memref<128x128xf32, #tpu.memory_space<vmem_shared>>
          tpu.wait_dma2 semaphore(%arg22 : memref<!tpu.dma_semaphore, #tpu.memory_space<semaphore_mem>>) src(%arg12 : memref<128x128xf32, #tpu.memory_space<vmem>>) dst(%dma_wait3A_106 : memref<128x128xf32, #tpu.memory_space<vmem_shared>>)
        } else {
        }
        %lt3A_51 = arith.constant 2500 : i32
        %lt3A_52 = arith.cmpi slt, %add3A_41, %lt3A_51 : i32
        %convert_element_type3A_53 = arith.extui %lt3A_52 : i1 to i32
        %cond3A_54 = arith.constant 0 : i32
        %cond3A_55 = arith.cmpi ne, %convert_element_type3A_53, %cond3A_54 : i32
        scf.if %cond3A_55 {
          %mul3A_102 = arith.constant 128 : i32
          %mul3A_103 = arith.muli %add3A_41, %mul3A_102 : i32
          %dma_start3A = tpu.memref_slice %arg4[%mul3A_103] : memref<320000xi32, #tpu.memory_space<hbm>> -> memref<128xi32, #tpu.memory_space<hbm>>
          %dma_start3A_104 = tpu.memref_slice %arg4[%mul3A_103] : memref<320000xi32, #tpu.memory_space<hbm>> -> memref<128xi32, #tpu.memory_space<hbm>>
          tpu.enqueue_dma source(%dma_start3A_104 : memref<128xi32, #tpu.memory_space<hbm>>) target(%arg9 : memref<128xi32, #tpu.memory_space<vmem>>) target_semaphore(%arg16 : memref<!tpu.dma_semaphore, #tpu.memory_space<semaphore_mem>>)
          %mul3A_105 = arith.constant 128 : i32
          %mul3A_106 = arith.muli %add3A_41, %mul3A_105 : i32
          %dma_start3A_107 = arith.constant 0 : i32
          %dma_start3A_108 = tpu.memref_slice %arg2[%mul3A_106, %dma_start3A_107] : memref<320000x128xf32, #tpu.memory_space<hbm>> -> memref<128x128xf32, #tpu.memory_space<hbm>>
          %dma_start3A_109 = arith.constant 0 : i32
          %dma_start3A_110 = tpu.memref_slice %arg2[%mul3A_106, %dma_start3A_109] : memref<320000x128xf32, #tpu.memory_space<hbm>> -> memref<128x128xf32, #tpu.memory_space<hbm>>
          tpu.enqueue_dma source(%dma_start3A_110 : memref<128x128xf32, #tpu.memory_space<hbm>>) target(%arg12 : memref<128x128xf32, #tpu.memory_space<vmem>>) target_semaphore(%arg19 : memref<!tpu.dma_semaphore, #tpu.memory_space<semaphore_mem>>)
          %dma_wait3A = arith.constant 0 : i32
          %dma_wait3A_111 = tpu.memref_slice %arg4[%dma_wait3A] : memref<320000xi32, #tpu.memory_space<hbm>> -> memref<128xi32, #tpu.memory_space<hbm>>
          %dma_wait3A_112 = arith.constant 0 : i32
          %dma_wait3A_113 = tpu.memref_slice %arg4[%dma_wait3A_112] : memref<320000xi32, #tpu.memory_space<hbm>> -> memref<128xi32, #tpu.memory_space<hbm>>
          tpu.wait_dma2 semaphore(%arg16 : memref<!tpu.dma_semaphore, #tpu.memory_space<semaphore_mem>>) src(%dma_wait3A_113 : memref<128xi32, #tpu.memory_space<hbm>>) dst(%arg9 : memref<128xi32, #tpu.memory_space<vmem>>)
          %dma_wait3A_114 = arith.constant 0 : i32
          %dma_wait3A_115 = arith.constant 0 : i32
          %dma_wait3A_116 = tpu.memref_slice %arg2[%dma_wait3A_114, %dma_wait3A_115] : memref<320000x128xf32, #tpu.memory_space<hbm>> -> memref<128x128xf32, #tpu.memory_space<hbm>>
          %dma_wait3A_117 = arith.constant 0 : i32
          %dma_wait3A_118 = arith.constant 0 : i32
          %dma_wait3A_119 = tpu.memref_slice %arg2[%dma_wait3A_117, %dma_wait3A_118] : memref<320000x128xf32, #tpu.memory_space<hbm>> -> memref<128x128xf32, #tpu.memory_space<hbm>>
          tpu.wait_dma2 semaphore(%arg19 : memref<!tpu.dma_semaphore, #tpu.memory_space<semaphore_mem>>) src(%dma_wait3A_119 : memref<128x128xf32, #tpu.memory_space<hbm>>) dst(%arg12 : memref<128x128xf32, #tpu.memory_space<vmem>>)
          %dma_start3A_120 = arith.constant 0 : i32
          %dma_start3A_121 = arith.constant 0 : i32
          %dma_start3A_122 = tpu.memref_slice %arg15[%dma_start3A_120, %dma_start3A_121] : memref<10000x128xf32, #tpu.memory_space<vmem_shared>> -> memref<10000x128xf32, #tpu.memory_space<vmem_shared>>
          tpu.enqueue_indirect_dma source(%arg12 : memref<128x128xf32, #tpu.memory_space<vmem>>) target(%dma_start3A_122 : memref<10000x128xf32, #tpu.memory_space<vmem_shared>>) offsets(%arg9 : memref<128xi32, #tpu.memory_space<vmem>>) semaphore(%arg22 : memref<!tpu.dma_semaphore, #tpu.memory_space<semaphore_mem>>) {add = true}
        } else {
        }
        %add3A_56 = arith.constant 1 : i32
        %add3A_57 = arith.addi %add3A_36, %add3A_56 : i32
        %mul3A_58 = arith.constant 16 : i32
        %mul3A_59 = arith.muli %add3A_57, %mul3A_58 : i32
        %add3A_60 = arith.addi %arg1, %mul3A_59 : i32
        %ge3A_61 = arith.constant 3 : i32
        %ge3A_62 = arith.cmpi sge, %add3A_57, %ge3A_61 : i32
        %sub3A_63 = arith.constant 3 : i32
        %sub3A_64 = arith.subi %add3A_57, %sub3A_63 : i32
        %mul3A_65 = arith.constant 16 : i32
        %mul3A_66 = arith.muli %sub3A_64, %mul3A_65 : i32
        %add3A_67 = arith.addi %arg1, %mul3A_66 : i32
        %lt3A_68 = arith.constant 2500 : i32
        %lt3A_69 = arith.cmpi slt, %add3A_67, %lt3A_68 : i32
        %and3A_70 = arith.andi %ge3A_62, %lt3A_69 : i1
        %convert_element_type3A_71 = arith.extui %and3A_70 : i1 to i32
        %cond3A_72 = arith.constant 0 : i32
        %cond3A_73 = arith.cmpi ne, %convert_element_type3A_71, %cond3A_72 : i32
        scf.if %cond3A_73 {
          %dma_wait3A = arith.constant 0 : i32
          %dma_wait3A_102 = arith.constant 0 : i32
          %dma_wait3A_103 = tpu.memref_slice %arg15[%dma_wait3A, %dma_wait3A_102] : memref<10000x128xf32, #tpu.memory_space<vmem_shared>> -> memref<128x128xf32, #tpu.memory_space<vmem_shared>>
          %dma_wait3A_104 = arith.constant 0 : i32
          %dma_wait3A_105 = arith.constant 0 : i32
          %dma_wait3A_106 = tpu.memref_slice %arg15[%dma_wait3A_104, %dma_wait3A_105] : memref<10000x128xf32, #tpu.memory_space<vmem_shared>> -> memref<128x128xf32, #tpu.memory_space<vmem_shared>>
          tpu.wait_dma2 semaphore(%arg23 : memref<!tpu.dma_semaphore, #tpu.memory_space<semaphore_mem>>) src(%arg13 : memref<128x128xf32, #tpu.memory_space<vmem>>) dst(%dma_wait3A_106 : memref<128x128xf32, #tpu.memory_space<vmem_shared>>)
        } else {
        }
        %lt3A_74 = arith.constant 2500 : i32
        %lt3A_75 = arith.cmpi slt, %add3A_60, %lt3A_74 : i32
        %convert_element_type3A_76 = arith.extui %lt3A_75 : i1 to i32
        %cond3A_77 = arith.constant 0 : i32
        %cond3A_78 = arith.cmpi ne, %convert_element_type3A_76, %cond3A_77 : i32
        scf.if %cond3A_78 {
          %mul3A_102 = arith.constant 128 : i32
          %mul3A_103 = arith.muli %add3A_60, %mul3A_102 : i32
          %dma_start3A = tpu.memref_slice %arg4[%mul3A_103] : memref<320000xi32, #tpu.memory_space<hbm>> -> memref<128xi32, #tpu.memory_space<hbm>>
          %dma_start3A_104 = tpu.memref_slice %arg4[%mul3A_103] : memref<320000xi32, #tpu.memory_space<hbm>> -> memref<128xi32, #tpu.memory_space<hbm>>
          tpu.enqueue_dma source(%dma_start3A_104 : memref<128xi32, #tpu.memory_space<hbm>>) target(%arg10 : memref<128xi32, #tpu.memory_space<vmem>>) target_semaphore(%arg17 : memref<!tpu.dma_semaphore, #tpu.memory_space<semaphore_mem>>)
          %mul3A_105 = arith.constant 128 : i32
          %mul3A_106 = arith.muli %add3A_60, %mul3A_105 : i32
          %dma_start3A_107 = arith.constant 0 : i32
          %dma_start3A_108 = tpu.memref_slice %arg2[%mul3A_106, %dma_start3A_107] : memref<320000x128xf32, #tpu.memory_space<hbm>> -> memref<128x128xf32, #tpu.memory_space<hbm>>
          %dma_start3A_109 = arith.constant 0 : i32
          %dma_start3A_110 = tpu.memref_slice %arg2[%mul3A_106, %dma_start3A_109] : memref<320000x128xf32, #tpu.memory_space<hbm>> -> memref<128x128xf32, #tpu.memory_space<hbm>>
          tpu.enqueue_dma source(%dma_start3A_110 : memref<128x128xf32, #tpu.memory_space<hbm>>) target(%arg13 : memref<128x128xf32, #tpu.memory_space<vmem>>) target_semaphore(%arg20 : memref<!tpu.dma_semaphore, #tpu.memory_space<semaphore_mem>>)
          %dma_wait3A = arith.constant 0 : i32
          %dma_wait3A_111 = tpu.memref_slice %arg4[%dma_wait3A] : memref<320000xi32, #tpu.memory_space<hbm>> -> memref<128xi32, #tpu.memory_space<hbm>>
          %dma_wait3A_112 = arith.constant 0 : i32
          %dma_wait3A_113 = tpu.memref_slice %arg4[%dma_wait3A_112] : memref<320000xi32, #tpu.memory_space<hbm>> -> memref<128xi32, #tpu.memory_space<hbm>>
          tpu.wait_dma2 semaphore(%arg17 : memref<!tpu.dma_semaphore, #tpu.memory_space<semaphore_mem>>) src(%dma_wait3A_113 : memref<128xi32, #tpu.memory_space<hbm>>) dst(%arg10 : memref<128xi32, #tpu.memory_space<vmem>>)
          %dma_wait3A_114 = arith.constant 0 : i32
          %dma_wait3A_115 = arith.constant 0 : i32
          %dma_wait3A_116 = tpu.memref_slice %arg2[%dma_wait3A_114, %dma_wait3A_115] : memref<320000x128xf32, #tpu.memory_space<hbm>> -> memref<128x128xf32, #tpu.memory_space<hbm>>
          %dma_wait3A_117 = arith.constant 0 : i32
          %dma_wait3A_118 = arith.constant 0 : i32
          %dma_wait3A_119 = tpu.memref_slice %arg2[%dma_wait3A_117, %dma_wait3A_118] : memref<320000x128xf32, #tpu.memory_space<hbm>> -> memref<128x128xf32, #tpu.memory_space<hbm>>
          tpu.wait_dma2 semaphore(%arg20 : memref<!tpu.dma_semaphore, #tpu.memory_space<semaphore_mem>>) src(%dma_wait3A_119 : memref<128x128xf32, #tpu.memory_space<hbm>>) dst(%arg13 : memref<128x128xf32, #tpu.memory_space<vmem>>)
          %dma_start3A_120 = arith.constant 0 : i32
          %dma_start3A_121 = arith.constant 0 : i32
          %dma_start3A_122 = tpu.memref_slice %arg15[%dma_start3A_120, %dma_start3A_121] : memref<10000x128xf32, #tpu.memory_space<vmem_shared>> -> memref<10000x128xf32, #tpu.memory_space<vmem_shared>>
          tpu.enqueue_indirect_dma source(%arg13 : memref<128x128xf32, #tpu.memory_space<vmem>>) target(%dma_start3A_122 : memref<10000x128xf32, #tpu.memory_space<vmem_shared>>) offsets(%arg10 : memref<128xi32, #tpu.memory_space<vmem>>) semaphore(%arg23 : memref<!tpu.dma_semaphore, #tpu.memory_space<semaphore_mem>>) {add = true}
        } else {
        }
        %add3A_79 = arith.constant 2 : i32
        %add3A_80 = arith.addi %add3A_36, %add3A_79 : i32
        %mul3A_81 = arith.constant 16 : i32
        %mul3A_82 = arith.muli %add3A_80, %mul3A_81 : i32
        %add3A_83 = arith.addi %arg1, %mul3A_82 : i32
        %ge3A_84 = arith.constant 3 : i32
        %ge3A_85 = arith.cmpi sge, %add3A_80, %ge3A_84 : i32
        %sub3A_86 = arith.constant 3 : i32
        %sub3A_87 = arith.subi %add3A_80, %sub3A_86 : i32
        %mul3A_88 = arith.constant 16 : i32
        %mul3A_89 = arith.muli %sub3A_87, %mul3A_88 : i32
        %add3A_90 = arith.addi %arg1, %mul3A_89 : i32
        %lt3A_91 = arith.constant 2500 : i32
        %lt3A_92 = arith.cmpi slt, %add3A_90, %lt3A_91 : i32
        %and3A_93 = arith.andi %ge3A_85, %lt3A_92 : i1
        %convert_element_type3A_94 = arith.extui %and3A_93 : i1 to i32
        %cond3A_95 = arith.constant 0 : i32
        %cond3A_96 = arith.cmpi ne, %convert_element_type3A_94, %cond3A_95 : i32
        scf.if %cond3A_96 {
          %dma_wait3A = arith.constant 0 : i32
          %dma_wait3A_102 = arith.constant 0 : i32
          %dma_wait3A_103 = tpu.memref_slice %arg15[%dma_wait3A, %dma_wait3A_102] : memref<10000x128xf32, #tpu.memory_space<vmem_shared>> -> memref<128x128xf32, #tpu.memory_space<vmem_shared>>
          %dma_wait3A_104 = arith.constant 0 : i32
          %dma_wait3A_105 = arith.constant 0 : i32
          %dma_wait3A_106 = tpu.memref_slice %arg15[%dma_wait3A_104, %dma_wait3A_105] : memref<10000x128xf32, #tpu.memory_space<vmem_shared>> -> memref<128x128xf32, #tpu.memory_space<vmem_shared>>
          tpu.wait_dma2 semaphore(%arg24 : memref<!tpu.dma_semaphore, #tpu.memory_space<semaphore_mem>>) src(%arg14 : memref<128x128xf32, #tpu.memory_space<vmem>>) dst(%dma_wait3A_106 : memref<128x128xf32, #tpu.memory_space<vmem_shared>>)
        } else {
        }
        %lt3A_97 = arith.constant 2500 : i32
        %lt3A_98 = arith.cmpi slt, %add3A_83, %lt3A_97 : i32
        %convert_element_type3A_99 = arith.extui %lt3A_98 : i1 to i32
        %cond3A_100 = arith.constant 0 : i32
        %cond3A_101 = arith.cmpi ne, %convert_element_type3A_99, %cond3A_100 : i32
        scf.if %cond3A_101 {
          %mul3A_102 = arith.constant 128 : i32
          %mul3A_103 = arith.muli %add3A_83, %mul3A_102 : i32
          %dma_start3A = tpu.memref_slice %arg4[%mul3A_103] : memref<320000xi32, #tpu.memory_space<hbm>> -> memref<128xi32, #tpu.memory_space<hbm>>
          %dma_start3A_104 = tpu.memref_slice %arg4[%mul3A_103] : memref<320000xi32, #tpu.memory_space<hbm>> -> memref<128xi32, #tpu.memory_space<hbm>>
          tpu.enqueue_dma source(%dma_start3A_104 : memref<128xi32, #tpu.memory_space<hbm>>) target(%arg11 : memref<128xi32, #tpu.memory_space<vmem>>) target_semaphore(%arg18 : memref<!tpu.dma_semaphore, #tpu.memory_space<semaphore_mem>>)
          %mul3A_105 = arith.constant 128 : i32
          %mul3A_106 = arith.muli %add3A_83, %mul3A_105 : i32
          %dma_start3A_107 = arith.constant 0 : i32
          %dma_start3A_108 = tpu.memref_slice %arg2[%mul3A_106, %dma_start3A_107] : memref<320000x128xf32, #tpu.memory_space<hbm>> -> memref<128x128xf32, #tpu.memory_space<hbm>>
          %dma_start3A_109 = arith.constant 0 : i32
          %dma_start3A_110 = tpu.memref_slice %arg2[%mul3A_106, %dma_start3A_109] : memref<320000x128xf32, #tpu.memory_space<hbm>> -> memref<128x128xf32, #tpu.memory_space<hbm>>
          tpu.enqueue_dma source(%dma_start3A_110 : memref<128x128xf32, #tpu.memory_space<hbm>>) target(%arg14 : memref<128x128xf32, #tpu.memory_space<vmem>>) target_semaphore(%arg21 : memref<!tpu.dma_semaphore, #tpu.memory_space<semaphore_mem>>)
          %dma_wait3A = arith.constant 0 : i32
          %dma_wait3A_111 = tpu.memref_slice %arg4[%dma_wait3A] : memref<320000xi32, #tpu.memory_space<hbm>> -> memref<128xi32, #tpu.memory_space<hbm>>
          %dma_wait3A_112 = arith.constant 0 : i32
          %dma_wait3A_113 = tpu.memref_slice %arg4[%dma_wait3A_112] : memref<320000xi32, #tpu.memory_space<hbm>> -> memref<128xi32, #tpu.memory_space<hbm>>
          tpu.wait_dma2 semaphore(%arg18 : memref<!tpu.dma_semaphore, #tpu.memory_space<semaphore_mem>>) src(%dma_wait3A_113 : memref<128xi32, #tpu.memory_space<hbm>>) dst(%arg11 : memref<128xi32, #tpu.memory_space<vmem>>)
          %dma_wait3A_114 = arith.constant 0 : i32
          %dma_wait3A_115 = arith.constant 0 : i32
          %dma_wait3A_116 = tpu.memref_slice %arg2[%dma_wait3A_114, %dma_wait3A_115] : memref<320000x128xf32, #tpu.memory_space<hbm>> -> memref<128x128xf32, #tpu.memory_space<hbm>>
          %dma_wait3A_117 = arith.constant 0 : i32
          %dma_wait3A_118 = arith.constant 0 : i32
          %dma_wait3A_119 = tpu.memref_slice %arg2[%dma_wait3A_117, %dma_wait3A_118] : memref<320000x128xf32, #tpu.memory_space<hbm>> -> memref<128x128xf32, #tpu.memory_space<hbm>>
          tpu.wait_dma2 semaphore(%arg21 : memref<!tpu.dma_semaphore, #tpu.memory_space<semaphore_mem>>) src(%dma_wait3A_119 : memref<128x128xf32, #tpu.memory_space<hbm>>) dst(%arg14 : memref<128x128xf32, #tpu.memory_space<vmem>>)
          %dma_start3A_120 = arith.constant 0 : i32
          %dma_start3A_121 = arith.constant 0 : i32
          %dma_start3A_122 = tpu.memref_slice %arg15[%dma_start3A_120, %dma_start3A_121] : memref<10000x128xf32, #tpu.memory_space<vmem_shared>> -> memref<10000x128xf32, #tpu.memory_space<vmem_shared>>
          tpu.enqueue_indirect_dma source(%arg14 : memref<128x128xf32, #tpu.memory_space<vmem>>) target(%dma_start3A_122 : memref<10000x128xf32, #tpu.memory_space<vmem_shared>>) offsets(%arg11 : memref<128xi32, #tpu.memory_space<vmem>>) semaphore(%arg24 : memref<!tpu.dma_semaphore, #tpu.memory_space<semaphore_mem>>) {add = true}
        } else {
        }
      }
      %scan3A_32 = arith.constant 54 : i32
    } else {
    }
    %eq3A_13 = arith.constant 1 : i32
    %eq3A_14 = arith.cmpi eq, %arg0, %eq3A_13 : i32
    %convert_element_type3A_15 = arith.extui %eq3A_14 : i1 to i32
    %cond3A_16 = arith.constant 0 : i32
    %cond3A_17 = arith.cmpi ne, %convert_element_type3A_15, %cond3A_16 : i32
    scf.if %cond3A_17 {
      %scan3A = arith.constant 0 : i32
      %scan3A_29 = arith.constant 54 : i32
      %scan3A_30 = arith.addi %scan3A, %scan3A_29 : i32
      %scan3A_31 = arith.constant 1 : i32
      scf.for %scan3A_33 = %scan3A to %scan3A_30 step %scan3A_31  : i32 {
        %mul3A_34 = arith.constant 3 : i32
        %mul3A_35 = arith.muli %scan3A_33, %mul3A_34 : i32
        %add3A = arith.constant 0 : i32
        %add3A_36 = arith.addi %add3A, %mul3A_35 : i32
        %add3A_37 = arith.constant 0 : i32
        %add3A_38 = arith.addi %add3A_36, %add3A_37 : i32
        %mul3A_39 = arith.constant 16 : i32
        %mul3A_40 = arith.muli %add3A_38, %mul3A_39 : i32
        %add3A_41 = arith.addi %arg1, %mul3A_40 : i32
        %ge3A = arith.constant 3 : i32
        %ge3A_42 = arith.cmpi sge, %add3A_38, %ge3A : i32
        %sub3A = arith.constant 3 : i32
        %sub3A_43 = arith.subi %add3A_38, %sub3A : i32
        %mul3A_44 = arith.constant 16 : i32
        %mul3A_45 = arith.muli %sub3A_43, %mul3A_44 : i32
        %add3A_46 = arith.addi %arg1, %mul3A_45 : i32
        %lt3A = arith.constant 2500 : i32
        %lt3A_47 = arith.cmpi slt, %add3A_46, %lt3A : i32
        %and3A = arith.andi %ge3A_42, %lt3A_47 : i1
        %convert_element_type3A_48 = arith.extui %and3A : i1 to i32
        %cond3A_49 = arith.constant 0 : i32
        %cond3A_50 = arith.cmpi ne, %convert_element_type3A_48, %cond3A_49 : i32
        scf.if %cond3A_50 {
          %dma_wait3A = arith.constant 0 : i32
          %dma_wait3A_102 = arith.constant 0 : i32
          %dma_wait3A_103 = tpu.memref_slice %arg15[%dma_wait3A, %dma_wait3A_102] : memref<10000x128xf32, #tpu.memory_space<vmem_shared>> -> memref<128x128xf32, #tpu.memory_space<vmem_shared>>
          %dma_wait3A_104 = arith.constant 0 : i32
          %dma_wait3A_105 = arith.constant 0 : i32
          %dma_wait3A_106 = tpu.memref_slice %arg15[%dma_wait3A_104, %dma_wait3A_105] : memref<10000x128xf32, #tpu.memory_space<vmem_shared>> -> memref<128x128xf32, #tpu.memory_space<vmem_shared>>
          tpu.wait_dma2 semaphore(%arg22 : memref<!tpu.dma_semaphore, #tpu.memory_space<semaphore_mem>>) src(%arg12 : memref<128x128xf32, #tpu.memory_space<vmem>>) dst(%dma_wait3A_106 : memref<128x128xf32, #tpu.memory_space<vmem_shared>>)
        } else {
        }
        %lt3A_51 = arith.constant 2500 : i32
        %lt3A_52 = arith.cmpi slt, %add3A_41, %lt3A_51 : i32
        %convert_element_type3A_53 = arith.extui %lt3A_52 : i1 to i32
        %cond3A_54 = arith.constant 0 : i32
        %cond3A_55 = arith.cmpi ne, %convert_element_type3A_53, %cond3A_54 : i32
        scf.if %cond3A_55 {
          %mul3A_102 = arith.constant 128 : i32
          %mul3A_103 = arith.muli %add3A_41, %mul3A_102 : i32
          %dma_start3A = tpu.memref_slice %arg4[%mul3A_103] : memref<320000xi32, #tpu.memory_space<hbm>> -> memref<128xi32, #tpu.memory_space<hbm>>
          %dma_start3A_104 = tpu.memref_slice %arg4[%mul3A_103] : memref<320000xi32, #tpu.memory_space<hbm>> -> memref<128xi32, #tpu.memory_space<hbm>>
          tpu.enqueue_dma source(%dma_start3A_104 : memref<128xi32, #tpu.memory_space<hbm>>) target(%arg9 : memref<128xi32, #tpu.memory_space<vmem>>) target_semaphore(%arg16 : memref<!tpu.dma_semaphore, #tpu.memory_space<semaphore_mem>>)
          %mul3A_105 = arith.constant 128 : i32
          %mul3A_106 = arith.muli %add3A_41, %mul3A_105 : i32
          %dma_start3A_107 = arith.constant 0 : i32
          %dma_start3A_108 = tpu.memref_slice %arg3[%mul3A_106, %dma_start3A_107] : memref<320000x128xf32, #tpu.memory_space<hbm>> -> memref<128x128xf32, #tpu.memory_space<hbm>>
          %dma_start3A_109 = arith.constant 0 : i32
          %dma_start3A_110 = tpu.memref_slice %arg3[%mul3A_106, %dma_start3A_109] : memref<320000x128xf32, #tpu.memory_space<hbm>> -> memref<128x128xf32, #tpu.memory_space<hbm>>
          tpu.enqueue_dma source(%dma_start3A_110 : memref<128x128xf32, #tpu.memory_space<hbm>>) target(%arg12 : memref<128x128xf32, #tpu.memory_space<vmem>>) target_semaphore(%arg19 : memref<!tpu.dma_semaphore, #tpu.memory_space<semaphore_mem>>)
          %dma_wait3A = arith.constant 0 : i32
          %dma_wait3A_111 = tpu.memref_slice %arg4[%dma_wait3A] : memref<320000xi32, #tpu.memory_space<hbm>> -> memref<128xi32, #tpu.memory_space<hbm>>
          %dma_wait3A_112 = arith.constant 0 : i32
          %dma_wait3A_113 = tpu.memref_slice %arg4[%dma_wait3A_112] : memref<320000xi32, #tpu.memory_space<hbm>> -> memref<128xi32, #tpu.memory_space<hbm>>
          tpu.wait_dma2 semaphore(%arg16 : memref<!tpu.dma_semaphore, #tpu.memory_space<semaphore_mem>>) src(%dma_wait3A_113 : memref<128xi32, #tpu.memory_space<hbm>>) dst(%arg9 : memref<128xi32, #tpu.memory_space<vmem>>)
          %dma_wait3A_114 = arith.constant 0 : i32
          %dma_wait3A_115 = arith.constant 0 : i32
          %dma_wait3A_116 = tpu.memref_slice %arg3[%dma_wait3A_114, %dma_wait3A_115] : memref<320000x128xf32, #tpu.memory_space<hbm>> -> memref<128x128xf32, #tpu.memory_space<hbm>>
          %dma_wait3A_117 = arith.constant 0 : i32
          %dma_wait3A_118 = arith.constant 0 : i32
          %dma_wait3A_119 = tpu.memref_slice %arg3[%dma_wait3A_117, %dma_wait3A_118] : memref<320000x128xf32, #tpu.memory_space<hbm>> -> memref<128x128xf32, #tpu.memory_space<hbm>>
          tpu.wait_dma2 semaphore(%arg19 : memref<!tpu.dma_semaphore, #tpu.memory_space<semaphore_mem>>) src(%dma_wait3A_119 : memref<128x128xf32, #tpu.memory_space<hbm>>) dst(%arg12 : memref<128x128xf32, #tpu.memory_space<vmem>>)
          %dma_start3A_120 = arith.constant 0 : i32
          %dma_start3A_121 = arith.constant 0 : i32
          %dma_start3A_122 = tpu.memref_slice %arg15[%dma_start3A_120, %dma_start3A_121] : memref<10000x128xf32, #tpu.memory_space<vmem_shared>> -> memref<10000x128xf32, #tpu.memory_space<vmem_shared>>
          tpu.enqueue_indirect_dma source(%arg12 : memref<128x128xf32, #tpu.memory_space<vmem>>) target(%dma_start3A_122 : memref<10000x128xf32, #tpu.memory_space<vmem_shared>>) offsets(%arg9 : memref<128xi32, #tpu.memory_space<vmem>>) semaphore(%arg22 : memref<!tpu.dma_semaphore, #tpu.memory_space<semaphore_mem>>) {add = true}
        } else {
        }
        %add3A_56 = arith.constant 1 : i32
        %add3A_57 = arith.addi %add3A_36, %add3A_56 : i32
        %mul3A_58 = arith.constant 16 : i32
        %mul3A_59 = arith.muli %add3A_57, %mul3A_58 : i32
        %add3A_60 = arith.addi %arg1, %mul3A_59 : i32
        %ge3A_61 = arith.constant 3 : i32
        %ge3A_62 = arith.cmpi sge, %add3A_57, %ge3A_61 : i32
        %sub3A_63 = arith.constant 3 : i32
        %sub3A_64 = arith.subi %add3A_57, %sub3A_63 : i32
        %mul3A_65 = arith.constant 16 : i32
        %mul3A_66 = arith.muli %sub3A_64, %mul3A_65 : i32
        %add3A_67 = arith.addi %arg1, %mul3A_66 : i32
        %lt3A_68 = arith.constant 2500 : i32
        %lt3A_69 = arith.cmpi slt, %add3A_67, %lt3A_68 : i32
        %and3A_70 = arith.andi %ge3A_62, %lt3A_69 : i1
        %convert_element_type3A_71 = arith.extui %and3A_70 : i1 to i32
        %cond3A_72 = arith.constant 0 : i32
        %cond3A_73 = arith.cmpi ne, %convert_element_type3A_71, %cond3A_72 : i32
        scf.if %cond3A_73 {
          %dma_wait3A = arith.constant 0 : i32
          %dma_wait3A_102 = arith.constant 0 : i32
          %dma_wait3A_103 = tpu.memref_slice %arg15[%dma_wait3A, %dma_wait3A_102] : memref<10000x128xf32, #tpu.memory_space<vmem_shared>> -> memref<128x128xf32, #tpu.memory_space<vmem_shared>>
          %dma_wait3A_104 = arith.constant 0 : i32
          %dma_wait3A_105 = arith.constant 0 : i32
          %dma_wait3A_106 = tpu.memref_slice %arg15[%dma_wait3A_104, %dma_wait3A_105] : memref<10000x128xf32, #tpu.memory_space<vmem_shared>> -> memref<128x128xf32, #tpu.memory_space<vmem_shared>>
          tpu.wait_dma2 semaphore(%arg23 : memref<!tpu.dma_semaphore, #tpu.memory_space<semaphore_mem>>) src(%arg13 : memref<128x128xf32, #tpu.memory_space<vmem>>) dst(%dma_wait3A_106 : memref<128x128xf32, #tpu.memory_space<vmem_shared>>)
        } else {
        }
        %lt3A_74 = arith.constant 2500 : i32
        %lt3A_75 = arith.cmpi slt, %add3A_60, %lt3A_74 : i32
        %convert_element_type3A_76 = arith.extui %lt3A_75 : i1 to i32
        %cond3A_77 = arith.constant 0 : i32
        %cond3A_78 = arith.cmpi ne, %convert_element_type3A_76, %cond3A_77 : i32
        scf.if %cond3A_78 {
          %mul3A_102 = arith.constant 128 : i32
          %mul3A_103 = arith.muli %add3A_60, %mul3A_102 : i32
          %dma_start3A = tpu.memref_slice %arg4[%mul3A_103] : memref<320000xi32, #tpu.memory_space<hbm>> -> memref<128xi32, #tpu.memory_space<hbm>>
          %dma_start3A_104 = tpu.memref_slice %arg4[%mul3A_103] : memref<320000xi32, #tpu.memory_space<hbm>> -> memref<128xi32, #tpu.memory_space<hbm>>
          tpu.enqueue_dma source(%dma_start3A_104 : memref<128xi32, #tpu.memory_space<hbm>>) target(%arg10 : memref<128xi32, #tpu.memory_space<vmem>>) target_semaphore(%arg17 : memref<!tpu.dma_semaphore, #tpu.memory_space<semaphore_mem>>)
          %mul3A_105 = arith.constant 128 : i32
          %mul3A_106 = arith.muli %add3A_60, %mul3A_105 : i32
          %dma_start3A_107 = arith.constant 0 : i32
          %dma_start3A_108 = tpu.memref_slice %arg3[%mul3A_106, %dma_start3A_107] : memref<320000x128xf32, #tpu.memory_space<hbm>> -> memref<128x128xf32, #tpu.memory_space<hbm>>
          %dma_start3A_109 = arith.constant 0 : i32
          %dma_start3A_110 = tpu.memref_slice %arg3[%mul3A_106, %dma_start3A_109] : memref<320000x128xf32, #tpu.memory_space<hbm>> -> memref<128x128xf32, #tpu.memory_space<hbm>>
          tpu.enqueue_dma source(%dma_start3A_110 : memref<128x128xf32, #tpu.memory_space<hbm>>) target(%arg13 : memref<128x128xf32, #tpu.memory_space<vmem>>) target_semaphore(%arg20 : memref<!tpu.dma_semaphore, #tpu.memory_space<semaphore_mem>>)
          %dma_wait3A = arith.constant 0 : i32
          %dma_wait3A_111 = tpu.memref_slice %arg4[%dma_wait3A] : memref<320000xi32, #tpu.memory_space<hbm>> -> memref<128xi32, #tpu.memory_space<hbm>>
          %dma_wait3A_112 = arith.constant 0 : i32
          %dma_wait3A_113 = tpu.memref_slice %arg4[%dma_wait3A_112] : memref<320000xi32, #tpu.memory_space<hbm>> -> memref<128xi32, #tpu.memory_space<hbm>>
          tpu.wait_dma2 semaphore(%arg17 : memref<!tpu.dma_semaphore, #tpu.memory_space<semaphore_mem>>) src(%dma_wait3A_113 : memref<128xi32, #tpu.memory_space<hbm>>) dst(%arg10 : memref<128xi32, #tpu.memory_space<vmem>>)
          %dma_wait3A_114 = arith.constant 0 : i32
          %dma_wait3A_115 = arith.constant 0 : i32
          %dma_wait3A_116 = tpu.memref_slice %arg3[%dma_wait3A_114, %dma_wait3A_115] : memref<320000x128xf32, #tpu.memory_space<hbm>> -> memref<128x128xf32, #tpu.memory_space<hbm>>
          %dma_wait3A_117 = arith.constant 0 : i32
          %dma_wait3A_118 = arith.constant 0 : i32
          %dma_wait3A_119 = tpu.memref_slice %arg3[%dma_wait3A_117, %dma_wait3A_118] : memref<320000x128xf32, #tpu.memory_space<hbm>> -> memref<128x128xf32, #tpu.memory_space<hbm>>
          tpu.wait_dma2 semaphore(%arg20 : memref<!tpu.dma_semaphore, #tpu.memory_space<semaphore_mem>>) src(%dma_wait3A_119 : memref<128x128xf32, #tpu.memory_space<hbm>>) dst(%arg13 : memref<128x128xf32, #tpu.memory_space<vmem>>)
          %dma_start3A_120 = arith.constant 0 : i32
          %dma_start3A_121 = arith.constant 0 : i32
          %dma_start3A_122 = tpu.memref_slice %arg15[%dma_start3A_120, %dma_start3A_121] : memref<10000x128xf32, #tpu.memory_space<vmem_shared>> -> memref<10000x128xf32, #tpu.memory_space<vmem_shared>>
          tpu.enqueue_indirect_dma source(%arg13 : memref<128x128xf32, #tpu.memory_space<vmem>>) target(%dma_start3A_122 : memref<10000x128xf32, #tpu.memory_space<vmem_shared>>) offsets(%arg10 : memref<128xi32, #tpu.memory_space<vmem>>) semaphore(%arg23 : memref<!tpu.dma_semaphore, #tpu.memory_space<semaphore_mem>>) {add = true}
        } else {
        }
        %add3A_79 = arith.constant 2 : i32
        %add3A_80 = arith.addi %add3A_36, %add3A_79 : i32
        %mul3A_81 = arith.constant 16 : i32
        %mul3A_82 = arith.muli %add3A_80, %mul3A_81 : i32
        %add3A_83 = arith.addi %arg1, %mul3A_82 : i32
        %ge3A_84 = arith.constant 3 : i32
        %ge3A_85 = arith.cmpi sge, %add3A_80, %ge3A_84 : i32
        %sub3A_86 = arith.constant 3 : i32
        %sub3A_87 = arith.subi %add3A_80, %sub3A_86 : i32
        %mul3A_88 = arith.constant 16 : i32
        %mul3A_89 = arith.muli %sub3A_87, %mul3A_88 : i32
        %add3A_90 = arith.addi %arg1, %mul3A_89 : i32
        %lt3A_91 = arith.constant 2500 : i32
        %lt3A_92 = arith.cmpi slt, %add3A_90, %lt3A_91 : i32
        %and3A_93 = arith.andi %ge3A_85, %lt3A_92 : i1
        %convert_element_type3A_94 = arith.extui %and3A_93 : i1 to i32
        %cond3A_95 = arith.constant 0 : i32
        %cond3A_96 = arith.cmpi ne, %convert_element_type3A_94, %cond3A_95 : i32
        scf.if %cond3A_96 {
          %dma_wait3A = arith.constant 0 : i32
          %dma_wait3A_102 = arith.constant 0 : i32
          %dma_wait3A_103 = tpu.memref_slice %arg15[%dma_wait3A, %dma_wait3A_102] : memref<10000x128xf32, #tpu.memory_space<vmem_shared>> -> memref<128x128xf32, #tpu.memory_space<vmem_shared>>
          %dma_wait3A_104 = arith.constant 0 : i32
          %dma_wait3A_105 = arith.constant 0 : i32
          %dma_wait3A_106 = tpu.memref_slice %arg15[%dma_wait3A_104, %dma_wait3A_105] : memref<10000x128xf32, #tpu.memory_space<vmem_shared>> -> memref<128x128xf32, #tpu.memory_space<vmem_shared>>
          tpu.wait_dma2 semaphore(%arg24 : memref<!tpu.dma_semaphore, #tpu.memory_space<semaphore_mem>>) src(%arg14 : memref<128x128xf32, #tpu.memory_space<vmem>>) dst(%dma_wait3A_106 : memref<128x128xf32, #tpu.memory_space<vmem_shared>>)
        } else {
        }
        %lt3A_97 = arith.constant 2500 : i32
        %lt3A_98 = arith.cmpi slt, %add3A_83, %lt3A_97 : i32
        %convert_element_type3A_99 = arith.extui %lt3A_98 : i1 to i32
        %cond3A_100 = arith.constant 0 : i32
        %cond3A_101 = arith.cmpi ne, %convert_element_type3A_99, %cond3A_100 : i32
        scf.if %cond3A_101 {
          %mul3A_102 = arith.constant 128 : i32
          %mul3A_103 = arith.muli %add3A_83, %mul3A_102 : i32
          %dma_start3A = tpu.memref_slice %arg4[%mul3A_103] : memref<320000xi32, #tpu.memory_space<hbm>> -> memref<128xi32, #tpu.memory_space<hbm>>
          %dma_start3A_104 = tpu.memref_slice %arg4[%mul3A_103] : memref<320000xi32, #tpu.memory_space<hbm>> -> memref<128xi32, #tpu.memory_space<hbm>>
          tpu.enqueue_dma source(%dma_start3A_104 : memref<128xi32, #tpu.memory_space<hbm>>) target(%arg11 : memref<128xi32, #tpu.memory_space<vmem>>) target_semaphore(%arg18 : memref<!tpu.dma_semaphore, #tpu.memory_space<semaphore_mem>>)
          %mul3A_105 = arith.constant 128 : i32
          %mul3A_106 = arith.muli %add3A_83, %mul3A_105 : i32
          %dma_start3A_107 = arith.constant 0 : i32
          %dma_start3A_108 = tpu.memref_slice %arg3[%mul3A_106, %dma_start3A_107] : memref<320000x128xf32, #tpu.memory_space<hbm>> -> memref<128x128xf32, #tpu.memory_space<hbm>>
          %dma_start3A_109 = arith.constant 0 : i32
          %dma_start3A_110 = tpu.memref_slice %arg3[%mul3A_106, %dma_start3A_109] : memref<320000x128xf32, #tpu.memory_space<hbm>> -> memref<128x128xf32, #tpu.memory_space<hbm>>
          tpu.enqueue_dma source(%dma_start3A_110 : memref<128x128xf32, #tpu.memory_space<hbm>>) target(%arg14 : memref<128x128xf32, #tpu.memory_space<vmem>>) target_semaphore(%arg21 : memref<!tpu.dma_semaphore, #tpu.memory_space<semaphore_mem>>)
          %dma_wait3A = arith.constant 0 : i32
          %dma_wait3A_111 = tpu.memref_slice %arg4[%dma_wait3A] : memref<320000xi32, #tpu.memory_space<hbm>> -> memref<128xi32, #tpu.memory_space<hbm>>
          %dma_wait3A_112 = arith.constant 0 : i32
          %dma_wait3A_113 = tpu.memref_slice %arg4[%dma_wait3A_112] : memref<320000xi32, #tpu.memory_space<hbm>> -> memref<128xi32, #tpu.memory_space<hbm>>
          tpu.wait_dma2 semaphore(%arg18 : memref<!tpu.dma_semaphore, #tpu.memory_space<semaphore_mem>>) src(%dma_wait3A_113 : memref<128xi32, #tpu.memory_space<hbm>>) dst(%arg11 : memref<128xi32, #tpu.memory_space<vmem>>)
          %dma_wait3A_114 = arith.constant 0 : i32
          %dma_wait3A_115 = arith.constant 0 : i32
          %dma_wait3A_116 = tpu.memref_slice %arg3[%dma_wait3A_114, %dma_wait3A_115] : memref<320000x128xf32, #tpu.memory_space<hbm>> -> memref<128x128xf32, #tpu.memory_space<hbm>>
          %dma_wait3A_117 = arith.constant 0 : i32
          %dma_wait3A_118 = arith.constant 0 : i32
          %dma_wait3A_119 = tpu.memref_slice %arg3[%dma_wait3A_117, %dma_wait3A_118] : memref<320000x128xf32, #tpu.memory_space<hbm>> -> memref<128x128xf32, #tpu.memory_space<hbm>>
          tpu.wait_dma2 semaphore(%arg21 : memref<!tpu.dma_semaphore, #tpu.memory_space<semaphore_mem>>) src(%dma_wait3A_119 : memref<128x128xf32, #tpu.memory_space<hbm>>) dst(%arg14 : memref<128x128xf32, #tpu.memory_space<vmem>>)
          %dma_start3A_120 = arith.constant 0 : i32
          %dma_start3A_121 = arith.constant 0 : i32
          %dma_start3A_122 = tpu.memref_slice %arg15[%dma_start3A_120, %dma_start3A_121] : memref<10000x128xf32, #tpu.memory_space<vmem_shared>> -> memref<10000x128xf32, #tpu.memory_space<vmem_shared>>
          tpu.enqueue_indirect_dma source(%arg14 : memref<128x128xf32, #tpu.memory_space<vmem>>) target(%dma_start3A_122 : memref<10000x128xf32, #tpu.memory_space<vmem_shared>>) offsets(%arg11 : memref<128xi32, #tpu.memory_space<vmem>>) semaphore(%arg24 : memref<!tpu.dma_semaphore, #tpu.memory_space<semaphore_mem>>) {add = true}
        } else {
        }
      }
      %scan3A_32 = arith.constant 54 : i32
    } else {
    }
    %barrier3A_18 = arith.constant 0 : index
    tpu.barrier barrier_id(%barrier3A_18)
    %eq3A_19 = arith.constant 0 : i32
    %eq3A_20 = arith.cmpi eq, %arg0, %eq3A_19 : i32
    %convert_element_type3A_21 = arith.extui %eq3A_20 : i1 to i32
    %cond3A_22 = arith.constant 0 : i32
    %cond3A_23 = arith.cmpi ne, %convert_element_type3A_21, %cond3A_22 : i32
    scf.if %cond3A_23 {
      "tpu.region"() ({
        %run_scoped3A = tpu.sem_alloc : memref<!tpu.dma_semaphore, #tpu.memory_space<semaphore_mem>>
        %dma_start3A = arith.constant 0 : i32
        %dma_start3A_34 = tpu.memref_slice %arg7[%mul3A_0, %dma_start3A] : memref<10000x128xf32, #tpu.memory_space<hbm>> -> memref<624x128xf32, #tpu.memory_space<hbm>>
        %dma_start3A_35 = arith.constant 0 : i32
        %dma_start3A_36 = tpu.memref_slice %arg15[%mul3A_0, %dma_start3A_35] : memref<10000x128xf32, #tpu.memory_space<vmem_shared>> -> memref<624x128xf32, #tpu.memory_space<vmem_shared>>
        tpu.enqueue_dma source(%dma_start3A_36 : memref<624x128xf32, #tpu.memory_space<vmem_shared>>) target(%dma_start3A_34 : memref<624x128xf32, #tpu.memory_space<hbm>>) target_semaphore(%run_scoped3A : memref<!tpu.dma_semaphore, #tpu.memory_space<semaphore_mem>>)
        %dma_wait3A = arith.constant 0 : i32
        %dma_wait3A_37 = tpu.memref_slice %arg7[%mul3A_0, %dma_wait3A] : memref<10000x128xf32, #tpu.memory_space<hbm>> -> memref<624x128xf32, #tpu.memory_space<hbm>>
        %dma_wait3A_38 = arith.constant 0 : i32
        %dma_wait3A_39 = tpu.memref_slice %arg15[%mul3A_0, %dma_wait3A_38] : memref<10000x128xf32, #tpu.memory_space<vmem_shared>> -> memref<624x128xf32, #tpu.memory_space<vmem_shared>>
        tpu.wait_dma2 semaphore(%run_scoped3A : memref<!tpu.dma_semaphore, #tpu.memory_space<semaphore_mem>>) src(%dma_wait3A_39 : memref<624x128xf32, #tpu.memory_space<vmem_shared>>) dst(%dma_wait3A_37 : memref<624x128xf32, #tpu.memory_space<hbm>>)
        tpu.yield
      }) : () -> ()
      %eq3A_29 = arith.constant 0 : i32
      %eq3A_30 = arith.cmpi eq, %arg1, %eq3A_29 : i32
      %convert_element_type3A_31 = arith.extui %eq3A_30 : i1 to i32
      %cond3A_32 = arith.constant 0 : i32
      %cond3A_33 = arith.cmpi ne, %convert_element_type3A_31, %cond3A_32 : i32
      scf.if %cond3A_33 {
        "tpu.region"() ({
          %run_scoped3A = tpu.sem_alloc : memref<!tpu.dma_semaphore, #tpu.memory_space<semaphore_mem>>
          %dma_start3A = arith.constant 9984 : i32
          %dma_start3A_34 = arith.constant 0 : i32
          %dma_start3A_35 = tpu.memref_slice %arg7[%dma_start3A, %dma_start3A_34] : memref<10000x128xf32, #tpu.memory_space<hbm>> -> memref<16x128xf32, #tpu.memory_space<hbm>>
          %dma_start3A_36 = arith.constant 9984 : i32
          %dma_start3A_37 = arith.constant 0 : i32
          %dma_start3A_38 = tpu.memref_slice %arg15[%dma_start3A_36, %dma_start3A_37] : memref<10000x128xf32, #tpu.memory_space<vmem_shared>> -> memref<16x128xf32, #tpu.memory_space<vmem_shared>>
          tpu.enqueue_dma source(%dma_start3A_38 : memref<16x128xf32, #tpu.memory_space<vmem_shared>>) target(%dma_start3A_35 : memref<16x128xf32, #tpu.memory_space<hbm>>) target_semaphore(%run_scoped3A : memref<!tpu.dma_semaphore, #tpu.memory_space<semaphore_mem>>)
          %dma_wait3A = arith.constant 9984 : i32
          %dma_wait3A_39 = arith.constant 0 : i32
          %dma_wait3A_40 = tpu.memref_slice %arg7[%dma_wait3A, %dma_wait3A_39] : memref<10000x128xf32, #tpu.memory_space<hbm>> -> memref<16x128xf32, #tpu.memory_space<hbm>>
          %dma_wait3A_41 = arith.constant 9984 : i32
          %dma_wait3A_42 = arith.constant 0 : i32
          %dma_wait3A_43 = tpu.memref_slice %arg15[%dma_wait3A_41, %dma_wait3A_42] : memref<10000x128xf32, #tpu.memory_space<vmem_shared>> -> memref<16x128xf32, #tpu.memory_space<vmem_shared>>
          tpu.wait_dma2 semaphore(%run_scoped3A : memref<!tpu.dma_semaphore, #tpu.memory_space<semaphore_mem>>) src(%dma_wait3A_43 : memref<16x128xf32, #tpu.memory_space<vmem_shared>>) dst(%dma_wait3A_40 : memref<16x128xf32, #tpu.memory_space<hbm>>)
          tpu.yield
        }) : () -> ()
      } else {
      }
    } else {
    }
    %eq3A_24 = arith.constant 1 : i32
    %eq3A_25 = arith.cmpi eq, %arg0, %eq3A_24 : i32
    %convert_element_type3A_26 = arith.extui %eq3A_25 : i1 to i32
    %cond3A_27 = arith.constant 0 : i32
    %cond3A_28 = arith.cmpi ne, %convert_element_type3A_26, %cond3A_27 : i32
    scf.if %cond3A_28 {
      "tpu.region"() ({
        %run_scoped3A = tpu.sem_alloc : memref<!tpu.dma_semaphore, #tpu.memory_space<semaphore_mem>>
        %dma_start3A = arith.constant 0 : i32
        %dma_start3A_34 = tpu.memref_slice %arg8[%mul3A_0, %dma_start3A] : memref<10000x128xf32, #tpu.memory_space<hbm>> -> memref<624x128xf32, #tpu.memory_space<hbm>>
        %dma_start3A_35 = arith.constant 0 : i32
        %dma_start3A_36 = tpu.memref_slice %arg15[%mul3A_0, %dma_start3A_35] : memref<10000x128xf32, #tpu.memory_space<vmem_shared>> -> memref<624x128xf32, #tpu.memory_space<vmem_shared>>
        tpu.enqueue_dma source(%dma_start3A_36 : memref<624x128xf32, #tpu.memory_space<vmem_shared>>) target(%dma_start3A_34 : memref<624x128xf32, #tpu.memory_space<hbm>>) target_semaphore(%run_scoped3A : memref<!tpu.dma_semaphore, #tpu.memory_space<semaphore_mem>>)
        %dma_wait3A = arith.constant 0 : i32
        %dma_wait3A_37 = tpu.memref_slice %arg8[%mul3A_0, %dma_wait3A] : memref<10000x128xf32, #tpu.memory_space<hbm>> -> memref<624x128xf32, #tpu.memory_space<hbm>>
        %dma_wait3A_38 = arith.constant 0 : i32
        %dma_wait3A_39 = tpu.memref_slice %arg15[%mul3A_0, %dma_wait3A_38] : memref<10000x128xf32, #tpu.memory_space<vmem_shared>> -> memref<624x128xf32, #tpu.memory_space<vmem_shared>>
        tpu.wait_dma2 semaphore(%run_scoped3A : memref<!tpu.dma_semaphore, #tpu.memory_space<semaphore_mem>>) src(%dma_wait3A_39 : memref<624x128xf32, #tpu.memory_space<vmem_shared>>) dst(%dma_wait3A_37 : memref<624x128xf32, #tpu.memory_space<hbm>>)
        tpu.yield
      }) : () -> ()
      %eq3A_29 = arith.constant 0 : i32
      %eq3A_30 = arith.cmpi eq, %arg1, %eq3A_29 : i32
      %convert_element_type3A_31 = arith.extui %eq3A_30 : i1 to i32
      %cond3A_32 = arith.constant 0 : i32
      %cond3A_33 = arith.cmpi ne, %convert_element_type3A_31, %cond3A_32 : i32
      scf.if %cond3A_33 {
        "tpu.region"() ({
          %run_scoped3A = tpu.sem_alloc : memref<!tpu.dma_semaphore, #tpu.memory_space<semaphore_mem>>
          %dma_start3A = arith.constant 9984 : i32
          %dma_start3A_34 = arith.constant 0 : i32
          %dma_start3A_35 = tpu.memref_slice %arg8[%dma_start3A, %dma_start3A_34] : memref<10000x128xf32, #tpu.memory_space<hbm>> -> memref<16x128xf32, #tpu.memory_space<hbm>>
          %dma_start3A_36 = arith.constant 9984 : i32
          %dma_start3A_37 = arith.constant 0 : i32
          %dma_start3A_38 = tpu.memref_slice %arg15[%dma_start3A_36, %dma_start3A_37] : memref<10000x128xf32, #tpu.memory_space<vmem_shared>> -> memref<16x128xf32, #tpu.memory_space<vmem_shared>>
          tpu.enqueue_dma source(%dma_start3A_38 : memref<16x128xf32, #tpu.memory_space<vmem_shared>>) target(%dma_start3A_35 : memref<16x128xf32, #tpu.memory_space<hbm>>) target_semaphore(%run_scoped3A : memref<!tpu.dma_semaphore, #tpu.memory_space<semaphore_mem>>)
          %dma_wait3A = arith.constant 9984 : i32
          %dma_wait3A_39 = arith.constant 0 : i32
          %dma_wait3A_40 = tpu.memref_slice %arg8[%dma_wait3A, %dma_wait3A_39] : memref<10000x128xf32, #tpu.memory_space<hbm>> -> memref<16x128xf32, #tpu.memory_space<hbm>>
          %dma_wait3A_41 = arith.constant 9984 : i32
          %dma_wait3A_42 = arith.constant 0 : i32
          %dma_wait3A_43 = tpu.memref_slice %arg15[%dma_wait3A_41, %dma_wait3A_42] : memref<10000x128xf32, #tpu.memory_space<vmem_shared>> -> memref<16x128xf32, #tpu.memory_space<vmem_shared>>
          tpu.wait_dma2 semaphore(%run_scoped3A : memref<!tpu.dma_semaphore, #tpu.memory_space<semaphore_mem>>) src(%dma_wait3A_43 : memref<16x128xf32, #tpu.memory_space<vmem_shared>>) dst(%dma_wait3A_40 : memref<16x128xf32, #tpu.memory_space<hbm>>)
          tpu.yield
        }) : () -> ()
      } else {
      }
    } else {
    }
    return
  }
}

#map = affine_map<(d0, d1) -> (0, 0)>
#map1 = affine_map<(d0, d1) -> (0)>
module attributes {stable_mosaic.version = 14 : i64} {
  func.func @_sc_gather(%arg0: i32, %arg1: i32, %arg2: memref<10000x128xf32, #tpu.memory_space<hbm>>, %arg3: memref<320000xi32, #tpu.memory_space<hbm>>, %arg4: memref<320000x128xf32, #tpu.memory_space<hbm>>, %arg5: memref<128xi32, #tpu.memory_space<vmem>>, %arg6: memref<128xi32, #tpu.memory_space<vmem>>, %arg7: memref<128x128xf32, #tpu.memory_space<vmem>>, %arg8: memref<128x128xf32, #tpu.memory_space<vmem>>, %arg9: memref<!tpu.dma_semaphore, #tpu.memory_space<semaphore_mem>>, %arg10: memref<!tpu.dma_semaphore, #tpu.memory_space<semaphore_mem>>, %arg11: memref<!tpu.dma_semaphore, #tpu.memory_space<semaphore_mem>>, %arg12: memref<!tpu.dma_semaphore, #tpu.memory_space<semaphore_mem>>, %arg13: memref<!tpu.dma_semaphore, #tpu.memory_space<semaphore_mem>>, %arg14: memref<!tpu.dma_semaphore, #tpu.memory_space<semaphore_mem>>) attributes {dimension_semantics = [#tpu.dimension_semantics<core_parallel>, #tpu.dimension_semantics<subcore_parallel>], iteration_bounds = array<i64: 2, 16>, scalar_prefetch = 0 : i64, scratch_operands = 10 : i64, tpu.core_type = #tpu.core_type<sc_vector_subcore>, window_params = [{transform_indices = #map}, {transform_indices = #map1}, {transform_indices = #map}]} {
    %mul3A = arith.constant 2 : i32
    %mul3A_0 = arith.muli %arg1, %mul3A : i32
    %add3A = arith.addi %mul3A_0, %arg0 : i32
    %add3A_1 = arith.constant 0 : i32
    %add3A_2 = arith.addi %add3A, %add3A_1 : i32
    %mul3A_3 = arith.constant 128 : i32
    %mul3A_4 = arith.muli %add3A_2, %mul3A_3 : i32
    %dma_start3A = tpu.memref_slice %arg3[%mul3A_4] : memref<320000xi32, #tpu.memory_space<hbm>> -> memref<128xi32, #tpu.memory_space<hbm>>
    %dma_start3A_5 = tpu.memref_slice %arg3[%mul3A_4] : memref<320000xi32, #tpu.memory_space<hbm>> -> memref<128xi32, #tpu.memory_space<hbm>>
    tpu.enqueue_dma source(%dma_start3A_5 : memref<128xi32, #tpu.memory_space<hbm>>) target(%arg5 : memref<128xi32, #tpu.memory_space<vmem>>) target_semaphore(%arg9 : memref<!tpu.dma_semaphore, #tpu.memory_space<semaphore_mem>>)
    %scan3A = arith.constant 0 : i32
    %scan3A_6 = arith.constant 41 : i32
    %scan3A_7 = arith.addi %scan3A, %scan3A_6 : i32
    %scan3A_8 = arith.constant 1 : i32
    scf.for %scan3A_10 = %scan3A to %scan3A_7 step %scan3A_8  : i32 {
      %mul3A_11 = arith.constant 2 : i32
      %mul3A_12 = arith.muli %scan3A_10, %mul3A_11 : i32
      %add3A_13 = arith.constant 0 : i32
      %add3A_14 = arith.addi %add3A_13, %mul3A_12 : i32
      %add3A_15 = arith.constant 0 : i32
      %add3A_16 = arith.addi %add3A_14, %add3A_15 : i32
      %mul3A_17 = arith.constant 32 : i32
      %mul3A_18 = arith.muli %add3A_16, %mul3A_17 : i32
      %add3A_19 = arith.addi %add3A, %mul3A_18 : i32
      %sub3A = arith.constant 1 : i32
      %sub3A_20 = arith.subi %add3A_16, %sub3A : i32
      %mul3A_21 = arith.constant 32 : i32
      %mul3A_22 = arith.muli %sub3A_20, %mul3A_21 : i32
      %add3A_23 = arith.addi %add3A, %mul3A_22 : i32
      %add3A_24 = arith.constant 1 : i32
      %add3A_25 = arith.addi %add3A_16, %add3A_24 : i32
      %mul3A_26 = arith.constant 32 : i32
      %mul3A_27 = arith.muli %add3A_25, %mul3A_26 : i32
      %add3A_28 = arith.addi %add3A, %mul3A_27 : i32
      %ge3A = arith.constant 1 : i32
      %ge3A_29 = arith.cmpi sge, %add3A_16, %ge3A : i32
      %lt3A = arith.constant 2500 : i32
      %lt3A_30 = arith.cmpi slt, %add3A_23, %lt3A : i32
      %and3A = arith.andi %ge3A_29, %lt3A_30 : i1
      %convert_element_type3A = arith.extui %and3A : i1 to i32
      %cond3A = arith.constant 0 : i32
      %cond3A_31 = arith.cmpi ne, %convert_element_type3A, %cond3A : i32
      scf.if %cond3A_31 {
        %dma_wait3A = arith.constant 0 : i32
        %dma_wait3A_101 = arith.constant 0 : i32
        %dma_wait3A_102 = tpu.memref_slice %arg2[%dma_wait3A, %dma_wait3A_101] : memref<10000x128xf32, #tpu.memory_space<hbm>> -> memref<128x128xf32, #tpu.memory_space<hbm>>
        %dma_wait3A_103 = arith.constant 0 : i32
        %dma_wait3A_104 = arith.constant 0 : i32
        %dma_wait3A_105 = tpu.memref_slice %arg2[%dma_wait3A_103, %dma_wait3A_104] : memref<10000x128xf32, #tpu.memory_space<hbm>> -> memref<128x128xf32, #tpu.memory_space<hbm>>
        tpu.wait_dma2 semaphore(%arg12 : memref<!tpu.dma_semaphore, #tpu.memory_space<semaphore_mem>>) src(%dma_wait3A_105 : memref<128x128xf32, #tpu.memory_space<hbm>>) dst(%arg8 : memref<128x128xf32, #tpu.memory_space<vmem>>)
        %mul3A_106 = arith.constant 128 : i32
        %mul3A_107 = arith.muli %add3A_23, %mul3A_106 : i32
        %dma_start3A_108 = arith.constant 0 : i32
        %dma_start3A_109 = tpu.memref_slice %arg4[%mul3A_107, %dma_start3A_108] : memref<320000x128xf32, #tpu.memory_space<hbm>> -> memref<128x128xf32, #tpu.memory_space<hbm>>
        %dma_start3A_110 = arith.constant 0 : i32
        %dma_start3A_111 = tpu.memref_slice %arg4[%mul3A_107, %dma_start3A_110] : memref<320000x128xf32, #tpu.memory_space<hbm>> -> memref<128x128xf32, #tpu.memory_space<hbm>>
        tpu.enqueue_dma source(%arg8 : memref<128x128xf32, #tpu.memory_space<vmem>>) target(%dma_start3A_111 : memref<128x128xf32, #tpu.memory_space<hbm>>) target_semaphore(%arg14 : memref<!tpu.dma_semaphore, #tpu.memory_space<semaphore_mem>>)
      } else {
      }
      %ge3A_32 = arith.constant 2 : i32
      %ge3A_33 = arith.cmpi sge, %add3A_16, %ge3A_32 : i32
      %sub3A_34 = arith.constant 2 : i32
      %sub3A_35 = arith.subi %add3A_16, %sub3A_34 : i32
      %mul3A_36 = arith.constant 32 : i32
      %mul3A_37 = arith.muli %sub3A_35, %mul3A_36 : i32
      %add3A_38 = arith.addi %add3A, %mul3A_37 : i32
      %lt3A_39 = arith.constant 2500 : i32
      %lt3A_40 = arith.cmpi slt, %add3A_38, %lt3A_39 : i32
      %and3A_41 = arith.andi %ge3A_33, %lt3A_40 : i1
      %convert_element_type3A_42 = arith.extui %and3A_41 : i1 to i32
      %cond3A_43 = arith.constant 0 : i32
      %cond3A_44 = arith.cmpi ne, %convert_element_type3A_42, %cond3A_43 : i32
      scf.if %cond3A_44 {
        %dma_wait3A = arith.constant 0 : i32
        %dma_wait3A_101 = arith.constant 0 : i32
        %dma_wait3A_102 = tpu.memref_slice %arg4[%dma_wait3A, %dma_wait3A_101] : memref<320000x128xf32, #tpu.memory_space<hbm>> -> memref<128x128xf32, #tpu.memory_space<hbm>>
        %dma_wait3A_103 = arith.constant 0 : i32
        %dma_wait3A_104 = arith.constant 0 : i32
        %dma_wait3A_105 = tpu.memref_slice %arg4[%dma_wait3A_103, %dma_wait3A_104] : memref<320000x128xf32, #tpu.memory_space<hbm>> -> memref<128x128xf32, #tpu.memory_space<hbm>>
        tpu.wait_dma2 semaphore(%arg13 : memref<!tpu.dma_semaphore, #tpu.memory_space<semaphore_mem>>) src(%arg7 : memref<128x128xf32, #tpu.memory_space<vmem>>) dst(%dma_wait3A_105 : memref<128x128xf32, #tpu.memory_space<hbm>>)
      } else {
      }
      %lt3A_45 = arith.constant 2500 : i32
      %lt3A_46 = arith.cmpi slt, %add3A_28, %lt3A_45 : i32
      %convert_element_type3A_47 = arith.extui %lt3A_46 : i1 to i32
      %cond3A_48 = arith.constant 0 : i32
      %cond3A_49 = arith.cmpi ne, %convert_element_type3A_47, %cond3A_48 : i32
      scf.if %cond3A_49 {
        %mul3A_101 = arith.constant 128 : i32
        %mul3A_102 = arith.muli %add3A_28, %mul3A_101 : i32
        %dma_start3A_103 = tpu.memref_slice %arg3[%mul3A_102] : memref<320000xi32, #tpu.memory_space<hbm>> -> memref<128xi32, #tpu.memory_space<hbm>>
        %dma_start3A_104 = tpu.memref_slice %arg3[%mul3A_102] : memref<320000xi32, #tpu.memory_space<hbm>> -> memref<128xi32, #tpu.memory_space<hbm>>
        tpu.enqueue_dma source(%dma_start3A_104 : memref<128xi32, #tpu.memory_space<hbm>>) target(%arg6 : memref<128xi32, #tpu.memory_space<vmem>>) target_semaphore(%arg10 : memref<!tpu.dma_semaphore, #tpu.memory_space<semaphore_mem>>)
      } else {
      }
      %lt3A_50 = arith.constant 2500 : i32
      %lt3A_51 = arith.cmpi slt, %add3A_19, %lt3A_50 : i32
      %convert_element_type3A_52 = arith.extui %lt3A_51 : i1 to i32
      %cond3A_53 = arith.constant 0 : i32
      %cond3A_54 = arith.cmpi ne, %convert_element_type3A_52, %cond3A_53 : i32
      scf.if %cond3A_54 {
        %dma_wait3A = arith.constant 0 : i32
        %dma_wait3A_101 = tpu.memref_slice %arg3[%dma_wait3A] : memref<320000xi32, #tpu.memory_space<hbm>> -> memref<128xi32, #tpu.memory_space<hbm>>
        %dma_wait3A_102 = arith.constant 0 : i32
        %dma_wait3A_103 = tpu.memref_slice %arg3[%dma_wait3A_102] : memref<320000xi32, #tpu.memory_space<hbm>> -> memref<128xi32, #tpu.memory_space<hbm>>
        tpu.wait_dma2 semaphore(%arg9 : memref<!tpu.dma_semaphore, #tpu.memory_space<semaphore_mem>>) src(%dma_wait3A_103 : memref<128xi32, #tpu.memory_space<hbm>>) dst(%arg5 : memref<128xi32, #tpu.memory_space<vmem>>)
        %dma_start3A_104 = arith.constant 0 : i32
        %dma_start3A_105 = arith.constant 0 : i32
        %dma_start3A_106 = tpu.memref_slice %arg2[%dma_start3A_104, %dma_start3A_105] : memref<10000x128xf32, #tpu.memory_space<hbm>> -> memref<10000x128xf32, #tpu.memory_space<hbm>>
        tpu.enqueue_indirect_dma source(%dma_start3A_106 : memref<10000x128xf32, #tpu.memory_space<hbm>>) target(%arg7 : memref<128x128xf32, #tpu.memory_space<vmem>>) offsets(%arg5 : memref<128xi32, #tpu.memory_space<vmem>>) semaphore(%arg11 : memref<!tpu.dma_semaphore, #tpu.memory_space<semaphore_mem>>)
      } else {
      }
      %add3A_55 = arith.constant 1 : i32
      %add3A_56 = arith.addi %add3A_14, %add3A_55 : i32
      %mul3A_57 = arith.constant 32 : i32
      %mul3A_58 = arith.muli %add3A_56, %mul3A_57 : i32
      %add3A_59 = arith.addi %add3A, %mul3A_58 : i32
      %sub3A_60 = arith.constant 1 : i32
      %sub3A_61 = arith.subi %add3A_56, %sub3A_60 : i32
      %mul3A_62 = arith.constant 32 : i32
      %mul3A_63 = arith.muli %sub3A_61, %mul3A_62 : i32
      %add3A_64 = arith.addi %add3A, %mul3A_63 : i32
      %add3A_65 = arith.constant 1 : i32
      %add3A_66 = arith.addi %add3A_56, %add3A_65 : i32
      %mul3A_67 = arith.constant 32 : i32
      %mul3A_68 = arith.muli %add3A_66, %mul3A_67 : i32
      %add3A_69 = arith.addi %add3A, %mul3A_68 : i32
      %ge3A_70 = arith.constant 1 : i32
      %ge3A_71 = arith.cmpi sge, %add3A_56, %ge3A_70 : i32
      %lt3A_72 = arith.constant 2500 : i32
      %lt3A_73 = arith.cmpi slt, %add3A_64, %lt3A_72 : i32
      %and3A_74 = arith.andi %ge3A_71, %lt3A_73 : i1
      %convert_element_type3A_75 = arith.extui %and3A_74 : i1 to i32
      %cond3A_76 = arith.constant 0 : i32
      %cond3A_77 = arith.cmpi ne, %convert_element_type3A_75, %cond3A_76 : i32
      scf.if %cond3A_77 {
        %dma_wait3A = arith.constant 0 : i32
        %dma_wait3A_101 = arith.constant 0 : i32
        %dma_wait3A_102 = tpu.memref_slice %arg2[%dma_wait3A, %dma_wait3A_101] : memref<10000x128xf32, #tpu.memory_space<hbm>> -> memref<128x128xf32, #tpu.memory_space<hbm>>
        %dma_wait3A_103 = arith.constant 0 : i32
        %dma_wait3A_104 = arith.constant 0 : i32
        %dma_wait3A_105 = tpu.memref_slice %arg2[%dma_wait3A_103, %dma_wait3A_104] : memref<10000x128xf32, #tpu.memory_space<hbm>> -> memref<128x128xf32, #tpu.memory_space<hbm>>
        tpu.wait_dma2 semaphore(%arg11 : memref<!tpu.dma_semaphore, #tpu.memory_space<semaphore_mem>>) src(%dma_wait3A_105 : memref<128x128xf32, #tpu.memory_space<hbm>>) dst(%arg7 : memref<128x128xf32, #tpu.memory_space<vmem>>)
        %mul3A_106 = arith.constant 128 : i32
        %mul3A_107 = arith.muli %add3A_64, %mul3A_106 : i32
        %dma_start3A_108 = arith.constant 0 : i32
        %dma_start3A_109 = tpu.memref_slice %arg4[%mul3A_107, %dma_start3A_108] : memref<320000x128xf32, #tpu.memory_space<hbm>> -> memref<128x128xf32, #tpu.memory_space<hbm>>
        %dma_start3A_110 = arith.constant 0 : i32
        %dma_start3A_111 = tpu.memref_slice %arg4[%mul3A_107, %dma_start3A_110] : memref<320000x128xf32, #tpu.memory_space<hbm>> -> memref<128x128xf32, #tpu.memory_space<hbm>>
        tpu.enqueue_dma source(%arg7 : memref<128x128xf32, #tpu.memory_space<vmem>>) target(%dma_start3A_111 : memref<128x128xf32, #tpu.memory_space<hbm>>) target_semaphore(%arg13 : memref<!tpu.dma_semaphore, #tpu.memory_space<semaphore_mem>>)
      } else {
      }
      %ge3A_78 = arith.constant 2 : i32
      %ge3A_79 = arith.cmpi sge, %add3A_56, %ge3A_78 : i32
      %sub3A_80 = arith.constant 2 : i32
      %sub3A_81 = arith.subi %add3A_56, %sub3A_80 : i32
      %mul3A_82 = arith.constant 32 : i32
      %mul3A_83 = arith.muli %sub3A_81, %mul3A_82 : i32
      %add3A_84 = arith.addi %add3A, %mul3A_83 : i32
      %lt3A_85 = arith.constant 2500 : i32
      %lt3A_86 = arith.cmpi slt, %add3A_84, %lt3A_85 : i32
      %and3A_87 = arith.andi %ge3A_79, %lt3A_86 : i1
      %convert_element_type3A_88 = arith.extui %and3A_87 : i1 to i32
      %cond3A_89 = arith.constant 0 : i32
      %cond3A_90 = arith.cmpi ne, %convert_element_type3A_88, %cond3A_89 : i32
      scf.if %cond3A_90 {
        %dma_wait3A = arith.constant 0 : i32
        %dma_wait3A_101 = arith.constant 0 : i32
        %dma_wait3A_102 = tpu.memref_slice %arg4[%dma_wait3A, %dma_wait3A_101] : memref<320000x128xf32, #tpu.memory_space<hbm>> -> memref<128x128xf32, #tpu.memory_space<hbm>>
        %dma_wait3A_103 = arith.constant 0 : i32
        %dma_wait3A_104 = arith.constant 0 : i32
        %dma_wait3A_105 = tpu.memref_slice %arg4[%dma_wait3A_103, %dma_wait3A_104] : memref<320000x128xf32, #tpu.memory_space<hbm>> -> memref<128x128xf32, #tpu.memory_space<hbm>>
        tpu.wait_dma2 semaphore(%arg14 : memref<!tpu.dma_semaphore, #tpu.memory_space<semaphore_mem>>) src(%arg8 : memref<128x128xf32, #tpu.memory_space<vmem>>) dst(%dma_wait3A_105 : memref<128x128xf32, #tpu.memory_space<hbm>>)
      } else {
      }
      %lt3A_91 = arith.constant 2500 : i32
      %lt3A_92 = arith.cmpi slt, %add3A_69, %lt3A_91 : i32
      %convert_element_type3A_93 = arith.extui %lt3A_92 : i1 to i32
      %cond3A_94 = arith.constant 0 : i32
      %cond3A_95 = arith.cmpi ne, %convert_element_type3A_93, %cond3A_94 : i32
      scf.if %cond3A_95 {
        %mul3A_101 = arith.constant 128 : i32
        %mul3A_102 = arith.muli %add3A_69, %mul3A_101 : i32
        %dma_start3A_103 = tpu.memref_slice %arg3[%mul3A_102] : memref<320000xi32, #tpu.memory_space<hbm>> -> memref<128xi32, #tpu.memory_space<hbm>>
        %dma_start3A_104 = tpu.memref_slice %arg3[%mul3A_102] : memref<320000xi32, #tpu.memory_space<hbm>> -> memref<128xi32, #tpu.memory_space<hbm>>
        tpu.enqueue_dma source(%dma_start3A_104 : memref<128xi32, #tpu.memory_space<hbm>>) target(%arg5 : memref<128xi32, #tpu.memory_space<vmem>>) target_semaphore(%arg9 : memref<!tpu.dma_semaphore, #tpu.memory_space<semaphore_mem>>)
      } else {
      }
      %lt3A_96 = arith.constant 2500 : i32
      %lt3A_97 = arith.cmpi slt, %add3A_59, %lt3A_96 : i32
      %convert_element_type3A_98 = arith.extui %lt3A_97 : i1 to i32
      %cond3A_99 = arith.constant 0 : i32
      %cond3A_100 = arith.cmpi ne, %convert_element_type3A_98, %cond3A_99 : i32
      scf.if %cond3A_100 {
        %dma_wait3A = arith.constant 0 : i32
        %dma_wait3A_101 = tpu.memref_slice %arg3[%dma_wait3A] : memref<320000xi32, #tpu.memory_space<hbm>> -> memref<128xi32, #tpu.memory_space<hbm>>
        %dma_wait3A_102 = arith.constant 0 : i32
        %dma_wait3A_103 = tpu.memref_slice %arg3[%dma_wait3A_102] : memref<320000xi32, #tpu.memory_space<hbm>> -> memref<128xi32, #tpu.memory_space<hbm>>
        tpu.wait_dma2 semaphore(%arg10 : memref<!tpu.dma_semaphore, #tpu.memory_space<semaphore_mem>>) src(%dma_wait3A_103 : memref<128xi32, #tpu.memory_space<hbm>>) dst(%arg6 : memref<128xi32, #tpu.memory_space<vmem>>)
        %dma_start3A_104 = arith.constant 0 : i32
        %dma_start3A_105 = arith.constant 0 : i32
        %dma_start3A_106 = tpu.memref_slice %arg2[%dma_start3A_104, %dma_start3A_105] : memref<10000x128xf32, #tpu.memory_space<hbm>> -> memref<10000x128xf32, #tpu.memory_space<hbm>>
        tpu.enqueue_indirect_dma source(%dma_start3A_106 : memref<10000x128xf32, #tpu.memory_space<hbm>>) target(%arg8 : memref<128x128xf32, #tpu.memory_space<vmem>>) offsets(%arg6 : memref<128xi32, #tpu.memory_space<vmem>>) semaphore(%arg12 : memref<!tpu.dma_semaphore, #tpu.memory_space<semaphore_mem>>)
      } else {
      }
    }
    %scan3A_9 = arith.constant 41 : i32
    return
  }
}

module attributes {stable_mosaic.version = 14 : i64} {
  func.func @_msg_body(%arg0: i32, %arg1: memref<4000x128xf32, #tpu.memory_space<vmem>>, %arg2: memref<4000x128xf32, #tpu.memory_space<vmem>>, %arg3: memref<128x256xf32, #tpu.memory_space<vmem>>, %arg4: memref<128x256xf32, #tpu.memory_space<vmem>>, %arg5: memref<1x256xf32, #tpu.memory_space<vmem>>, %arg6: memref<256x256xf32, #tpu.memory_space<vmem>>, %arg7: memref<1x256xf32, #tpu.memory_space<vmem>>, %arg8: memref<4000x128xf32, #tpu.memory_space<vmem>>, %arg9: memref<4000x128xf32, #tpu.memory_space<vmem>>) attributes {dimension_semantics = [#tpu.dimension_semantics<arbitrary>], iteration_bounds = array<i64: 80>, scalar_prefetch = 0 : i64, scratch_operands = 0 : i64, tpu.core_type = #tpu.core_type<tc>, window_params = [{transform_indices = @transform_0, window_bounds = array<i64: 4000, 128>}, {transform_indices = @transform_1, window_bounds = array<i64: 4000, 128>}, {pipeline_mode = #tpu.pipeline_mode<synchronous>, transform_indices = @transform_2, window_bounds = array<i64: 128, 256>}, {pipeline_mode = #tpu.pipeline_mode<synchronous>, transform_indices = @transform_3, window_bounds = array<i64: 128, 256>}, {pipeline_mode = #tpu.pipeline_mode<synchronous>, transform_indices = @transform_4, window_bounds = array<i64: 1, 256>}, {pipeline_mode = #tpu.pipeline_mode<synchronous>, transform_indices = @transform_5, window_bounds = array<i64: 256, 256>}, {pipeline_mode = #tpu.pipeline_mode<synchronous>, transform_indices = @transform_6, window_bounds = array<i64: 1, 256>}, {transform_indices = @transform_7, window_bounds = array<i64: 4000, 128>}, {transform_indices = @transform_8, window_bounds = array<i64: 4000, 128>}]} {
    %get3A = arith.constant 0 : index
    %get3A_0 = arith.constant 0 : index
    %get3A_1 = vector.load %arg1[%get3A, %get3A_0] : memref<4000x128xf32, #tpu.memory_space<vmem>>, vector<4000x128xf32>
    %convert_element_type3A = arith.truncf %get3A_1 : vector<4000x128xf32> to vector<4000x128xbf16>
    %get3A_2 = arith.constant 0 : index
    %get3A_3 = arith.constant 0 : index
    %get3A_4 = vector.load %arg3[%get3A_2, %get3A_3] : memref<128x256xf32, #tpu.memory_space<vmem>>, vector<128x256xf32>
    %convert_element_type3A_5 = arith.truncf %get3A_4 : vector<128x256xf32> to vector<128x256xbf16>
    %dot_general3A = arith.constant dense<0.000000e+00> : vector<4000x256xf32>
    %dot_general3A_6 = tpu.matmul %convert_element_type3A, %convert_element_type3A_5, %dot_general3A {dimension_numbers = #tpu.dot_dimension_numbers<[1], [0], [0], [1], [0, 0, 1, 1], [], []>, transpose_lhs_hint = false} : vector<4000x128xbf16>, vector<128x256xbf16>, vector<4000x256xf32> -> vector<4000x256xf32>
    %get3A_7 = arith.constant 0 : index
    %get3A_8 = arith.constant 0 : index
    %get3A_9 = vector.load %arg2[%get3A_7, %get3A_8] : memref<4000x128xf32, #tpu.memory_space<vmem>>, vector<4000x128xf32>
    %convert_element_type3A_10 = arith.truncf %get3A_9 : vector<4000x128xf32> to vector<4000x128xbf16>
    %get3A_11 = arith.constant 0 : index
    %get3A_12 = arith.constant 0 : index
    %get3A_13 = vector.load %arg4[%get3A_11, %get3A_12] : memref<128x256xf32, #tpu.memory_space<vmem>>, vector<128x256xf32>
    %convert_element_type3A_14 = arith.truncf %get3A_13 : vector<128x256xf32> to vector<128x256xbf16>
    %dot_general3A_15 = arith.constant dense<0.000000e+00> : vector<4000x256xf32>
    %dot_general3A_16 = tpu.matmul %convert_element_type3A_10, %convert_element_type3A_14, %dot_general3A_15 {dimension_numbers = #tpu.dot_dimension_numbers<[1], [0], [0], [1], [0, 0, 1, 1], [], []>, transpose_lhs_hint = false} : vector<4000x128xbf16>, vector<128x256xbf16>, vector<4000x256xf32> -> vector<4000x256xf32>
    %add3A = arith.addf %dot_general3A_6, %dot_general3A_16 : vector<4000x256xf32>
    %get3A_17 = arith.constant 0 : index
    %get3A_18 = arith.constant 0 : index
    %get3A_19 = vector.load %arg5[%get3A_17, %get3A_18] : memref<1x256xf32, #tpu.memory_space<vmem>>, vector<1x256xf32>
    %add3A_20 = vector.broadcast %get3A_19 : vector<1x256xf32> to vector<4000x256xf32>
    %add3A_21 = arith.addf %add3A, %add3A_20 : vector<4000x256xf32>
    %gt3A = arith.constant 0.000000e+00 : f32
    %gt3A_22 = vector.broadcast %gt3A : f32 to vector<4000x256xf32>
    %gt3A_23 = arith.cmpf ogt, %add3A_21, %gt3A_22 : vector<4000x256xf32>
    %mul3A = arith.constant 0.00999999977 : f32
    %mul3A_24 = vector.broadcast %mul3A : f32 to vector<4000x256xf32>
    %mul3A_25 = arith.mulf %mul3A_24, %add3A_21 : vector<4000x256xf32>
    %select_n3A = arith.select %gt3A_23, %add3A_21, %mul3A_25 : vector<4000x256xi1>, vector<4000x256xf32>
    %convert_element_type3A_26 = arith.truncf %select_n3A : vector<4000x256xf32> to vector<4000x256xbf16>
    %get3A_27 = arith.constant 0 : index
    %get3A_28 = arith.constant 0 : index
    %get3A_29 = vector.load %arg6[%get3A_27, %get3A_28] : memref<256x256xf32, #tpu.memory_space<vmem>>, vector<256x256xf32>
    %convert_element_type3A_30 = arith.truncf %get3A_29 : vector<256x256xf32> to vector<256x256xbf16>
    %dot_general3A_31 = arith.constant dense<0.000000e+00> : vector<4000x256xf32>
    %dot_general3A_32 = tpu.matmul %convert_element_type3A_26, %convert_element_type3A_30, %dot_general3A_31 {dimension_numbers = #tpu.dot_dimension_numbers<[1], [0], [0], [1], [0, 0, 1, 1], [], []>, transpose_lhs_hint = false} : vector<4000x256xbf16>, vector<256x256xbf16>, vector<4000x256xf32> -> vector<4000x256xf32>
    %get3A_33 = arith.constant 0 : index
    %get3A_34 = arith.constant 0 : index
    %get3A_35 = vector.load %arg7[%get3A_33, %get3A_34] : memref<1x256xf32, #tpu.memory_space<vmem>>, vector<1x256xf32>
    %add3A_36 = vector.broadcast %get3A_35 : vector<1x256xf32> to vector<4000x256xf32>
    %add3A_37 = arith.addf %dot_general3A_32, %add3A_36 : vector<4000x256xf32>
    %slice3A = vector.extract_strided_slice %add3A_37 {offsets = [0, 0], sizes = [4000, 128], strides = [1, 1]} : vector<4000x256xf32> to vector<4000x128xf32>
    %swap3A = arith.constant 0 : index
    %swap3A_38 = arith.constant 0 : index
    %swap3A_39 = vector.load %arg8[%swap3A, %swap3A_38] : memref<4000x128xf32, #tpu.memory_space<vmem>>, vector<4000x128xf32>
    tpu.vector_store %arg8[%swap3A, %swap3A_38], %slice3A {strides = array<i32>} : memref<4000x128xf32, #tpu.memory_space<vmem>>, vector<4000x128xf32>,
    %slice3A_40 = vector.extract_strided_slice %add3A_37 {offsets = [0, 128], sizes = [4000, 128], strides = [1, 1]} : vector<4000x256xf32> to vector<4000x128xf32>
    %swap3A_41 = arith.constant 0 : index
    %swap3A_42 = arith.constant 0 : index
    %swap3A_43 = vector.load %arg9[%swap3A_41, %swap3A_42] : memref<4000x128xf32, #tpu.memory_space<vmem>>, vector<4000x128xf32>
    tpu.vector_store %arg9[%swap3A_41, %swap3A_42], %slice3A_40 {strides = array<i32>} : memref<4000x128xf32, #tpu.memory_space<vmem>>, vector<4000x128xf32>,
    return
  }
  func.func @transform_0(%arg0: i32) -> (i32, i32) {
    %c0_i32 = arith.constant 0 : i32
    %c0_i32_0 = arith.constant 0 : i32
    return %arg0, %c0_i32 : i32, i32
  }
  func.func @transform_1(%arg0: i32) -> (i32, i32) {
    %c0_i32 = arith.constant 0 : i32
    %c0_i32_0 = arith.constant 0 : i32
    return %arg0, %c0_i32 : i32, i32
  }
  func.func @transform_2(%arg0: i32) -> (i32, i32) {
    %c0_i32 = arith.constant 0 : i32
    %c0_i32_0 = arith.constant 0 : i32
    %c0_i32_1 = arith.constant 0 : i32
    return %c0_i32, %c0_i32_0 : i32, i32
  }
  func.func @transform_3(%arg0: i32) -> (i32, i32) {
    %c0_i32 = arith.constant 0 : i32
    %c0_i32_0 = arith.constant 0 : i32
    %c0_i32_1 = arith.constant 0 : i32
    return %c0_i32, %c0_i32_0 : i32, i32
  }
  func.func @transform_4(%arg0: i32) -> (i32, i32) {
    %c0_i32 = arith.constant 0 : i32
    %c0_i32_0 = arith.constant 0 : i32
    %c0_i32_1 = arith.constant 0 : i32
    return %c0_i32, %c0_i32_0 : i32, i32
  }
  func.func @transform_5(%arg0: i32) -> (i32, i32) {
    %c0_i32 = arith.constant 0 : i32
    %c0_i32_0 = arith.constant 0 : i32
    %c0_i32_1 = arith.constant 0 : i32
    return %c0_i32, %c0_i32_0 : i32, i32
  }
  func.func @transform_6(%arg0: i32) -> (i32, i32) {
    %c0_i32 = arith.constant 0 : i32
    %c0_i32_0 = arith.constant 0 : i32
    %c0_i32_1 = arith.constant 0 : i32
    return %c0_i32, %c0_i32_0 : i32, i32
  }
  func.func @transform_7(%arg0: i32) -> (i32, i32) {
    %c0_i32 = arith.constant 0 : i32
    %c0_i32_0 = arith.constant 0 : i32
    return %arg0, %c0_i32 : i32, i32
  }
  func.func @transform_8(%arg0: i32) -> (i32, i32) {
    %c0_i32 = arith.constant 0 : i32
    %c0_i32_0 = arith.constant 0 : i32
    return %arg0, %c0_i32 : i32, i32
  }
}

module attributes {stable_mosaic.version = 14 : i64} {
  func.func @_upd_body(%arg0: memref<10000x128xf32, #tpu.memory_space<vmem>>, %arg1: memref<10000x128xf32, #tpu.memory_space<vmem>>, %arg2: memref<10000x128xf32, #tpu.memory_space<vmem>>, %arg3: memref<1x128xf32, #tpu.memory_space<vmem>>, %arg4: memref<128x512xf32, #tpu.memory_space<vmem>>, %arg5: memref<128x512xf32, #tpu.memory_space<vmem>>, %arg6: memref<128x512xf32, #tpu.memory_space<vmem>>, %arg7: memref<128x512xf32, #tpu.memory_space<vmem>>, %arg8: memref<1x512xf32, #tpu.memory_space<vmem>>, %arg9: memref<512x128xf32, #tpu.memory_space<vmem>>, %arg10: memref<1x128xf32, #tpu.memory_space<vmem>>, %arg11: memref<1x128xf32, #tpu.memory_space<vmem>>, %arg12: memref<1x128xf32, #tpu.memory_space<vmem>>, %arg13: memref<10000x128xf32, #tpu.memory_space<vmem>>) attributes {dimension_semantics = [], scalar_prefetch = 0 : i64, scratch_operands = 0 : i64, tpu.core_type = #tpu.core_type<tc>} {
    %get3A = arith.constant 0 : index
    %get3A_0 = arith.constant 0 : index
    %get3A_1 = vector.load %arg0[%get3A, %get3A_0] : memref<10000x128xf32, #tpu.memory_space<vmem>>, vector<10000x128xf32>
    %get3A_2 = arith.constant 0 : index
    %get3A_3 = arith.constant 0 : index
    %get3A_4 = vector.load %arg4[%get3A_2, %get3A_3] : memref<128x512xf32, #tpu.memory_space<vmem>>, vector<128x512xf32>
    %dot_general3A = arith.constant dense<0.000000e+00> : vector<10000x512xf32>
    %dot_general3A_5 = tpu.matmul %get3A_1, %get3A_4, %dot_general3A {dimension_numbers = #tpu.dot_dimension_numbers<[1], [0], [0], [1], [0, 0, 1, 1], [], []>, transpose_lhs_hint = false} : vector<10000x128xf32>, vector<128x512xf32>, vector<10000x512xf32> -> vector<10000x512xf32>
    %get3A_6 = arith.constant 0 : index
    %get3A_7 = arith.constant 0 : index
    %get3A_8 = vector.load %arg1[%get3A_6, %get3A_7] : memref<10000x128xf32, #tpu.memory_space<vmem>>, vector<10000x128xf32>
    %get3A_9 = arith.constant 0 : index
    %get3A_10 = arith.constant 0 : index
    %get3A_11 = vector.load %arg5[%get3A_9, %get3A_10] : memref<128x512xf32, #tpu.memory_space<vmem>>, vector<128x512xf32>
    %dot_general3A_12 = arith.constant dense<0.000000e+00> : vector<10000x512xf32>
    %dot_general3A_13 = tpu.matmul %get3A_8, %get3A_11, %dot_general3A_12 {dimension_numbers = #tpu.dot_dimension_numbers<[1], [0], [0], [1], [0, 0, 1, 1], [], []>, transpose_lhs_hint = false} : vector<10000x128xf32>, vector<128x512xf32>, vector<10000x512xf32> -> vector<10000x512xf32>
    %add3A = arith.addf %dot_general3A_5, %dot_general3A_13 : vector<10000x512xf32>
    %get3A_14 = arith.constant 0 : index
    %get3A_15 = arith.constant 0 : index
    %get3A_16 = vector.load %arg2[%get3A_14, %get3A_15] : memref<10000x128xf32, #tpu.memory_space<vmem>>, vector<10000x128xf32>
    %get3A_17 = arith.constant 0 : index
    %get3A_18 = arith.constant 0 : index
    %get3A_19 = vector.load %arg6[%get3A_17, %get3A_18] : memref<128x512xf32, #tpu.memory_space<vmem>>, vector<128x512xf32>
    %dot_general3A_20 = arith.constant dense<0.000000e+00> : vector<10000x512xf32>
    %dot_general3A_21 = tpu.matmul %get3A_16, %get3A_19, %dot_general3A_20 {dimension_numbers = #tpu.dot_dimension_numbers<[1], [0], [0], [1], [0, 0, 1, 1], [], []>, transpose_lhs_hint = false} : vector<10000x128xf32>, vector<128x512xf32>, vector<10000x512xf32> -> vector<10000x512xf32>
    %add3A_22 = arith.addf %add3A, %dot_general3A_21 : vector<10000x512xf32>
    %get3A_23 = arith.constant 0 : index
    %get3A_24 = arith.constant 0 : index
    %get3A_25 = vector.load %arg3[%get3A_23, %get3A_24] : memref<1x128xf32, #tpu.memory_space<vmem>>, vector<1x128xf32>
    %get3A_26 = arith.constant 0 : index
    %get3A_27 = arith.constant 0 : index
    %get3A_28 = vector.load %arg7[%get3A_26, %get3A_27] : memref<128x512xf32, #tpu.memory_space<vmem>>, vector<128x512xf32>
    %dot_general3A_29 = arith.constant dense<0.000000e+00> : vector<1x512xf32>
    %dot_general3A_30 = tpu.matmul %get3A_25, %get3A_28, %dot_general3A_29 {dimension_numbers = #tpu.dot_dimension_numbers<[1], [0], [0], [1], [0, 0, 1, 1], [], []>, transpose_lhs_hint = false} : vector<1x128xf32>, vector<128x512xf32>, vector<1x512xf32> -> vector<1x512xf32>
    %add3A_31 = vector.broadcast %dot_general3A_30 : vector<1x512xf32> to vector<10000x512xf32>
    %add3A_32 = arith.addf %add3A_22, %add3A_31 : vector<10000x512xf32>
    %get3A_33 = arith.constant 0 : index
    %get3A_34 = arith.constant 0 : index
    %get3A_35 = vector.load %arg8[%get3A_33, %get3A_34] : memref<1x512xf32, #tpu.memory_space<vmem>>, vector<1x512xf32>
    %add3A_36 = vector.broadcast %get3A_35 : vector<1x512xf32> to vector<10000x512xf32>
    %add3A_37 = arith.addf %add3A_32, %add3A_36 : vector<10000x512xf32>
    %gt3A = arith.constant 0.000000e+00 : f32
    %gt3A_38 = vector.broadcast %gt3A : f32 to vector<10000x512xf32>
    %gt3A_39 = arith.cmpf ogt, %add3A_37, %gt3A_38 : vector<10000x512xf32>
    %mul3A = arith.constant 0.00999999977 : f32
    %mul3A_40 = vector.broadcast %mul3A : f32 to vector<10000x512xf32>
    %mul3A_41 = arith.mulf %mul3A_40, %add3A_37 : vector<10000x512xf32>
    %select_n3A = arith.select %gt3A_39, %add3A_37, %mul3A_41 : vector<10000x512xi1>, vector<10000x512xf32>
    %get3A_42 = arith.constant 0 : index
    %get3A_43 = arith.constant 0 : index
    %get3A_44 = vector.load %arg9[%get3A_42, %get3A_43] : memref<512x128xf32, #tpu.memory_space<vmem>>, vector<512x128xf32>
    %dot_general3A_45 = arith.constant dense<0.000000e+00> : vector<10000x128xf32>
    %dot_general3A_46 = tpu.matmul %select_n3A, %get3A_44, %dot_general3A_45 {dimension_numbers = #tpu.dot_dimension_numbers<[1], [0], [0], [1], [0, 0, 1, 1], [], []>, transpose_lhs_hint = false} : vector<10000x512xf32>, vector<512x128xf32>, vector<10000x128xf32> -> vector<10000x128xf32>
    %get3A_47 = arith.constant 0 : index
    %get3A_48 = arith.constant 0 : index
    %get3A_49 = vector.load %arg10[%get3A_47, %get3A_48] : memref<1x128xf32, #tpu.memory_space<vmem>>, vector<1x128xf32>
    %add3A_50 = vector.broadcast %get3A_49 : vector<1x128xf32> to vector<10000x128xf32>
    %add3A_51 = arith.addf %dot_general3A_46, %add3A_50 : vector<10000x128xf32>
    %reduce_sum3A = arith.constant dense<0.000000e+00> : vector<128xf32>
    %reduce_sum3A_52 = vector.multi_reduction <add>, %add3A_51, %reduce_sum3A [0] : vector<10000x128xf32> to vector<128xf32>
    %broadcast_in_dim3A = vector.shape_cast %reduce_sum3A_52 : vector<128xf32> to vector<1x128xf32>
    %div3A = arith.constant 1.000000e+04 : f32
    %div3A_53 = vector.broadcast %div3A : f32 to vector<1x128xf32>
    %div3A_54 = arith.divf %broadcast_in_dim3A, %div3A_53 : vector<1x128xf32>
    %sub3A = vector.broadcast %div3A_54 : vector<1x128xf32> to vector<10000x128xf32>
    %sub3A_55 = arith.subf %add3A_51, %sub3A : vector<10000x128xf32>
    %integer_pow3A = arith.mulf %sub3A_55, %sub3A_55 : vector<10000x128xf32>
    %reduce_sum3A_56 = arith.constant dense<0.000000e+00> : vector<128xf32>
    %reduce_sum3A_57 = vector.multi_reduction <add>, %integer_pow3A, %reduce_sum3A_56 [0] : vector<10000x128xf32> to vector<128xf32>
    %broadcast_in_dim3A_58 = vector.shape_cast %reduce_sum3A_57 : vector<128xf32> to vector<1x128xf32>
    %div3A_59 = arith.constant 1.000000e+04 : f32
    %div3A_60 = vector.broadcast %div3A_59 : f32 to vector<1x128xf32>
    %div3A_61 = arith.divf %broadcast_in_dim3A_58, %div3A_60 : vector<1x128xf32>
    %sub3A_62 = vector.broadcast %div3A_54 : vector<1x128xf32> to vector<10000x128xf32>
    %sub3A_63 = arith.subf %add3A_51, %sub3A_62 : vector<10000x128xf32>
    %add3A_64 = arith.constant 9.99999974E-6 : f32
    %add3A_65 = vector.broadcast %add3A_64 : f32 to vector<1x128xf32>
    %add3A_66 = arith.addf %div3A_61, %add3A_65 : vector<1x128xf32>
    %rsqrt3A = math.rsqrt %add3A_66 : vector<1x128xf32>
    %mul3A_67 = vector.broadcast %rsqrt3A : vector<1x128xf32> to vector<10000x128xf32>
    %mul3A_68 = arith.mulf %sub3A_63, %mul3A_67 : vector<10000x128xf32>
    %get3A_69 = arith.constant 0 : index
    %get3A_70 = arith.constant 0 : index
    %get3A_71 = vector.load %arg11[%get3A_69, %get3A_70] : memref<1x128xf32, #tpu.memory_space<vmem>>, vector<1x128xf32>
    %mul3A_72 = vector.broadcast %get3A_71 : vector<1x128xf32> to vector<10000x128xf32>
    %mul3A_73 = arith.mulf %mul3A_68, %mul3A_72 : vector<10000x128xf32>
    %get3A_74 = arith.constant 0 : index
    %get3A_75 = arith.constant 0 : index
    %get3A_76 = vector.load %arg12[%get3A_74, %get3A_75] : memref<1x128xf32, #tpu.memory_space<vmem>>, vector<1x128xf32>
    %add3A_77 = vector.broadcast %get3A_76 : vector<1x128xf32> to vector<10000x128xf32>
    %add3A_78 = arith.addf %mul3A_73, %add3A_77 : vector<10000x128xf32>
    %swap3A = arith.constant 0 : index
    %swap3A_79 = arith.constant 0 : index
    %swap3A_80 = vector.load %arg13[%swap3A, %swap3A_79] : memref<10000x128xf32, #tpu.memory_space<vmem>>, vector<10000x128xf32>
    tpu.vector_store %arg13[%swap3A, %swap3A_79], %add3A_78 {strides = array<i32>} : memref<10000x128xf32, #tpu.memory_space<vmem>>, vector<10000x128xf32>,
    return
  }
}

</mosaic_0001>

<sc_bundles>
// kernel: kernel.6.cloned.1.call-start
scs
__scs_entry_jumppad:
0x0: {  	(pc) =	sbr.rel $0x88, $3  }
0x1: {  	(tag) =	ssettag $0x0;
	lr =	simm.s32 $0x1  }
0x2: {  	[smem:$0x3F92] =	sst lr;
	_ =	strace $0xD0000000  }
0x3: {  	_ = 	snop  }
0x4: {  	_ = 	snop  }
0x5: {  	_ = 	snop  }
0x6: {  	_ = 	snop  }
0x7: {  	_ = 	snop  }
__scs_overlays_trampoline_lowered:
0x8: {  	[smem:$0x3FA1] =	sst s0  }
0x9: {  	[smem:$0x3FA2] =	sst s1  }
0xa: {  	[smem:$0x3FA3] =	sst s2  }
0xb: {  	[smem:$0x3FA4] =	sst s3  }
0xc: {  	[smem:$0x3FA5] =	sst s4  }
0xd: {  	[smem:$0x3FA6] =	sst s5  }
0xe: {  	[smem:$0x3FA7] =	sst s6  }
0xf: {  	[smem:$0x3FA8] =	sst s7  }
0x10: {  	[smem:$0x3FA9] =	sst s8  }
0x11: {  	[smem:$0x3FAA] =	sst s9;
	s0 =	simm.s32 @!p0 $0x0  }
0x12: {  	s1 =	sld [smem:$0x3F90];
	s0 =	simm.s32 @p0 $0x1  }
0x13: {  	[smem:$0x3FAB] =	sst s0;
	s0 =	simm.s32 @!p1 $0x0  }
0x14: {  	s2 =	sld [smem:$0x3F8F];
	s0 =	simm.s32 @p1 $0x1  }
0x15: {  	[smem:$0x3FAC] =	sst s0;
	s0 =	simm.s32 @!p2 $0x0  }
0x16: {  	s3 =	sld [smem:$0x3FDB];
	s0 =	simm.s32 @p2 $0x1  }
0x17: {  	s4 =	simm.s32 $0x1BF5;
	[smem:$0x3FAE] =	sst s0  }
0x18: {  	s0 =	sld [smem:$0x3F91];
	_ =	swait.ge [sflag:s4], $0x0  }
0x19: {  	s7 =	sld [smem:$0x3F92]  }
0x1a: {  	s8 =	sadd.s32 $0xFFFFE003, lr  }
0x1b: {  	s9 =	sadd.s32 $0xFFFFFEF7, lr;
	s5 =	simm.s32 $0xFFFFFFFF;
	p2 =	slt.u32 s8, $0xFFFFF086  }
0x1c: {  	p1 =	slt.u32 s9, $0xF7A;
	s5 =	simm.s32 @!p2 $0x0  }
0x1d: {  	s5 =	simm.s32 @p1 $0x1;
	p0 =	seq.s32 s7, s2  }
0x1e: {  	s7 =	smul.u32 @!p0 $0xF7A, s2;
	p2 =	seq.s32 @!p0 s5, $0x0  }
0x1f: {  	s9 =	smul.u32 $0xF7A, s1;
	s8 =	simm.s32 @!p0 $0x1BF5;
	p2 =	por !p2, p0  }
0x20: {  	[sflag:s8] =	ssyncset.s32 @!p0 $0xFFFFF086;
	s6 =	sadd.s32 @!p0 s3, s7;
	s7 =	simm.s32 @!p0 $0x108  }
0x21: {  	s3 =	sadd.s32 s3, s9;
	s6 =	sadd.s32 @!p0 $0x88, s6;
	s7 =	simm.s32 @p2 $0x1082  }
0x22: {  	[simem:s7], [sflag:s8] =	dma.local @!p0 [hbm:s6], $0xF7A  }
0x23: {  	s9 =	sor.u32 $0xD0000000, s2;
	s6 =	simm.s32 $0x108;
	_ =	swait.ge @!p0 [sflag:s8], $0x0  }
0x24: {  	s3 =	sadd.s32 $0x88, s3;
	s6 =	simm.s32 @!p1 $0x1082;
	[sflag:s4] =	ssyncset.s32 $0xFFFFF086  }
0x25: {  	[simem:s6], [sflag:s4] =	dma.local [hbm:s3], $0xF7A  }
0x26: {  	[smem:$0x3F92] =	sst s1;
	(tag) =	ssettag s2;
	_ =	strace s9  }
0x27: {  	s1 =	sld [smem:$0x3FA2]  }
0x28: {  	s2 =	sld [smem:$0x3FA3]  }
0x29: {  	s4 =	sld [smem:$0x3FA5]  }
0x2a: {  	p0 =	seq.s32 s5, $0x0;
	s5 =	sld [smem:$0x3FA6]  }
0x2b: {  	s6 =	sld [smem:$0x3FA7]  }
0x2c: {  	s7 =	sld [smem:$0x3FA8]  }
0x2d: {  	s3 =	simm.s32 $0x108;
	s8 =	sld [smem:$0x3FA9]  }
0x2e: {  	s3 =	simm.s32 @!p0 $0x1082;
	s9 =	sld [smem:$0x3FAA]  }
0x2f: {  	lr =	sadd.s32 s0, s3;
	s0 =	sld [smem:$0x3FA1]  }
0x30: {  	s3 =	sld [smem:$0x3FA4]  }
0x31: {  	[smem:$0x3FAD] =	sst s10  }
0x32: {  	s10 =	sld [smem:$0x3FAB];
	_ =	sdelay $0x3  }
0x33: {  	p0 =	seq.s32 s10, $0x1;
	s10 =	sld [smem:$0x3FAD];
	_ =	sdelay $0x3  }
0x34: {  	[smem:$0x3FAD] =	sst s10  }
0x35: {  	s10 =	sld [smem:$0x3FAC];
	_ =	sdelay $0x3  }
0x36: {  	p1 =	seq.s32 s10, $0x1;
	s10 =	sld [smem:$0x3FAD];
	_ =	sdelay $0x3  }
0x37: {  	[smem:$0x3FAD] =	sst s10  }
0x38: {  	s10 =	sld [smem:$0x3FAE]  }
0x39: {  	_ = 	snop;
	(pc) =	sbr.ind lr, $3  }
0x3a: {  	_ = 	snop  }
0x3b: {  	_ = 	snop  }
0x3c: {  	p2 =	seq.s32 s10, $0x1;
	s10 =	sld [smem:$0x3FAD]  }
0x3d: {  	_ =	shalt  }
0x3e: {  	_ =	shalt  }
0x3f: {  	_ =	shalt  }
0x40: {  	_ =	shalt  }
0x41: {  	_ =	shalt  }
0x42: {  	_ =	shalt  }
0x43: {  	_ =	shalt  }
0x44: {  	_ =	shalt  }
0x45: {  	_ =	shalt  }
0x46: {  	_ =	shalt  }
0x47: {  	_ =	shalt  }
0x48: {  	_ =	shalt  }
0x49: {  	_ =	shalt  }
0x4a: {  	_ =	shalt  }
0x4b: {  	_ =	shalt  }
0x4c: {  	_ =	shalt  }
0x4d: {  	_ =	shalt  }
0x4e: {  	_ =	shalt  }
0x4f: {  	_ =	shalt  }
0x50: {  	_ =	shalt  }
0x51: {  	_ =	shalt  }
0x52: {  	_ =	shalt  }
0x53: {  	_ =	shalt  }
0x54: {  	_ =	shalt  }
0x55: {  	_ =	shalt  }
0x56: {  	_ =	shalt  }
0x57: {  	_ =	shalt  }
0x58: {  	_ =	shalt  }
0x59: {  	_ =	shalt  }
0x5a: {  	_ =	shalt  }
0x5b: {  	_ =	shalt  }
0x5c: {  	_ =	shalt  }
0x5d: {  	_ =	shalt  }
0x5e: {  	_ =	shalt  }
0x5f: {  	_ =	shalt  }
0x60: {  	_ =	shalt  }
0x61: {  	_ =	shalt  }
0x62: {  	_ =	shalt  }
0x63: {  	_ =	shalt  }
0x64: {  	_ =	shalt  }
0x65: {  	_ =	shalt  }
0x66: {  	_ =	shalt  }
0x67: {  	_ =	shalt  }
0x68: {  	_ =	shalt  }
0x69: {  	_ =	shalt  }
0x6a: {  	_ =	shalt  }
0x6b: {  	_ =	shalt  }
0x6c: {  	_ =	shalt  }
0x6d: {  	_ =	shalt  }
0x6e: {  	_ =	shalt  }
0x6f: {  	_ =	shalt  }
0x70: {  	_ =	shalt  }
0x71: {  	_ =	shalt  }
0x72: {  	_ =	shalt  }
0x73: {  	_ =	shalt  }
0x74: {  	_ =	shalt  }
0x75: {  	_ =	shalt  }
0x76: {  	_ =	shalt  }
0x77: {  	_ =	shalt  }
0x78: {  	_ =	shalt  }
0x79: {  	_ =	shalt  }
0x7a: {  	_ =	shalt  }
0x7b: {  	_ =	shalt  }
0x7c: {  	_ =	shalt  }
0x7d: {  	_ =	shalt  }
0x7e: {  	_ =	shalt  }
0x7f: {  	_ =	shalt  }
0x80: {  	_ =	shalt  }
0x81: {  	_ =	shalt  }
0x82: {  	_ =	shalt  }
0x83: {  	_ =	shalt  }
0x84: {  	_ =	shalt  }
0x85: {  	_ =	shalt  }
0x86: {  	_ =	shalt  }
0x87: {  	_ =	shalt  }
.Lfunc_end0:
.L_simem_size_0:
called_computation_lowered:
.L_overlay_start_0:
0x88: {  	s2 =	sld [smem:$0x3FD9]  }
0x89: {  	s3 =	sld [smem:$0x3FFE];
	_ =	sdelay $0x1  }
0x8a: {  	s1 =	srdreg.scid  }
0x8b: {  	s0 =	sand.u32 $0x1, s1  }
0x8c: {  	s17 =	sshll.u32 s0, $0xA;
	s2 =	sadd.s32 s3, s2  }
0x8d: {  	s2 =	sadd.s32 s2, s17  }
0x8e: {  	[smem:$0x3FB9] =	sst s2  }
0x8f: {  	_ = 	snop  }
0x90: {  	s2 =	sld [smem:$0x3FC9]  }
0x91: {  	s18 =	sld [smem:$0x3FD0];
	(tm) =	ssettm $0x1  }
0x92: {  	s4 =	sld [smem:$0x3FFB];
	_ =	sdelay $0x3  }
0x93: {  	_ =	strace s4  }
0x94: {  	s4 =	sld [smem:$0x3FFC];
	_ =	sdelay $0x3  }
0x95: {  	_ =	strace s4  }
0x96: {  	s4 =	sld [smem:$0x3FFD];
	_ =	sdelay $0x3  }
0x97: {  	_ =	strace s4  }
0x98: {  	_ =	strace $0x8FFFFFFF  }
0x99: {  	s19 =	sld [smem:$0x3FDB];
	_ =	sdelay $0x1  }
0x9a: {  	s5 =	simm.s32 $_scs_section_size  }
0x9b: {  	s6 =	simm.s32 $_size__tile_overlayer_lowered;
	s7 =	simm.s32 $_tile_overlayer_lowered  }
0x9c: {  	s22 =	simm.s32 $0x1BFF;
	s21 =	sshll.u32 s7, $0x1;
	s4 =	sadd.s32 s5, s19  }
0x9d: {  	s8 =	simm.s32 $0x0;
	s20 =	sshll.u32 s6, $0x1;
	s6 =	sadd.s32 s21, s4  }
0x9e: {  	[timem:s8], [sflag:s22] =	dma.local [hbm:s6], s20  }
0x9f: {  	_ =	swait.ge [sflag:s22], s20  }
0xa0: {  	s5 =	ssub.s32 $0x0, s20;
	[sflag:s22] =	ssyncset.done $0x0  }
0xa1: {  	[sflag:s22] =	ssyncadd.s32 s5;
	_ =	sdelay $0x1  }
0xa2: {  	s23 =	simm.s32 $0x1B8B  }
0xa3: {  	_ =	swait.ge [sflag:s23], $0x1  }
0xa4: {  	[sflag:s23] =	ssyncset.done $0x0  }
0xa5: {  	s25 =	simm.s32 $0x1B8E;
	s24 =	sld [smem:$0x3FFE];
	[sflag:s23] =	ssyncadd.s32 $0xFFFFFFFF  }
0xa6: {  	s26 =	simm.s32 $execute0_lowered;
	[smem:$0x3FD2] =	sst s25  }
0xa7: {  	s6 =	sshll.u32 s26, $0x1;
	_ =	strace $0x80000046;
	[dreg:$0x1] =	wrdreg $0xFFFFFFFF  }
0xa8: {  	s28 =	simm.s32 $_size_execute0_lowered;
	s4 =	sadd.s32 s4, s6;
	[dreg:$0x0] =	wrdreg $0x0  }
0xa9: {  	s6 =	sshll.u32 s28, $0x1;
	[dreg:$0x2] =	wrdreg s4  }
0xaa: {  	[dreg:$0x3] =	wrdreg s6  }
0xab: {  	[dreg:$0x4] =	wrdreg $0xC0  }
0xac: {  	_ =	task [dreg:s8], $0x5FFFF  }
0xad: {  	[dreg:$0x1] =	wrdreg $0xFFFFFFFF  }
0xae: {  	[dreg:$0x0] =	wrdreg $0x60  }
0xaf: {  	[dreg:$0x2] =	wrdreg s2  }
0xb0: {  	[dreg:$0x3] =	wrdreg s18  }
0xb1: {  	[dreg:$0x4] =	wrdreg s24  }
0xb2: {  	[dreg:$0x5] =	wrdreg $0x9  }
0xb3: {  	_ =	task.clear_ibuf [dreg:s8], $0x6FFFF;
	_ =	strace $0x90000046  }
0xb4: {  	s29 =	simm.s32 $0x9;
	_ =	strace $0x80000048  }
0xb5: {  	_ =	swait.ge [sflag:s29], $0x1  }
0xb6: {  	[sflag:s29] =	ssyncadd.s32 $0xFFFFFFFF  }
0xb7: {  	_ =	strace $0x90000048  }
0xb8: {  	_ =	sfence  }
0xb9: {  	s30 =	sld [smem:$0x0];
	_ =	sdelay $0x2  }
0xba: {  	s31 =	sshll.u32 s1, $0xD;
	s1 =	sshrl.u32 s1, $0x2  }
0xbb: {  	s3 =	sand.u32 $0x4000, s31;
	s1 =	sadd.s32 s1, s30  }
0xbc: {  	s0 =	sor.u32 s3, s0;
	s1 =	sshll.u32 s1, $0x11  }
0xbd: {  	s0 =	sor.u32 s1, s0  }
0xbe: {  	s0 =	sadd.s32 $0x8F2B, s0  }
0xbf: {  	[sflag:s0] =	ssyncadd.remote.s32 $0x1  }
0xc0: {  	_ =	sfence.sel $0xFFFF  }
0xc1: {  	[dreg:$0x0] =	wrdreg $0xFFFFFFFF;
	(pc) =	sbr.abs _section_cstart, $3  }
0xc2: {  	[dreg:$0x1] =	wrdreg $0xFFFFFFFF  }
0xc3: {  	_ =	task.clear_ibuf [dreg:s8], $0x2FFFF;
	_ =	strace $0x9FFFFFFF  }
0xc4: {  	(tm) =	ssettm $0x7FFFFFFF  }
0xc5: {  	_ =	shalt  }
tec
execute0_lowered:
.L_overlay_start_1:
0x0: {  	(tag) =	ssettag $0x1  }
0x1: {  	s1 =	rddreg [dreg:$0x0]  }
0x2: {  	s0 =	rddreg [dreg:$0x1]  }
0x3: {  	s5 =	rddreg [dreg:$0x2];
	s4 =	srdreg.scid  }
0x4: {  	s3 =	simm.s32 $0x0;
	s2 =	stileid.u32;
	s14 =	simm.s32 $0x1  }
0x5: {  	s15 =	simm.s32 $0x100;
	s16 =	simm.s32 $0x3;
	s17 =	simm.s32 $0x2  }
0x6: {  	s19 =	simm.s32 $0x0;
	s10 =	sand.u32 $0x1, s4;
	[smem:$0x7FF] =	sst s3  }
0x7: {  	s28 =	sshll.u32 s2, $0x1;
	s11 =	sadd.s32 $0xC400, s5;
	s12 =	sshll.u32 s2, $0x5  }
0x8: {  	s30 =	sshll.u32 s2, $0xC;
	s6 =	ssub.s32 $0x2, s10;
	_ =	strace $0x80000047  }
0x9: {  	s4 =	sor.u32 s10, s28;
	s13 =	sshll.u32 s10, $0x4;
	s31 =	sshll.u32 s10, $0xB  }
0xa: {  	s7 =	sshrl.u32 s6, $0x1;
	s29 =	sshll.u32 s4, $0x4;
	s9 =	sshll.u32 s4, $0xB  }
0xb: {  	s6 =	ssub.s32 s6, s7;
	s5 =	sadd.s32 s0, s29;
	s7 =	ssub.s32 $0xA04, s4  }
0xc: {  	s9 =	sadd.s32 s11, s9;
	s0 =	sadd.s32 s12, s0;
	s11 =	sadd.s32 s30, s11  }
0xd: {  	s6 =	smax.u32 s6, $0x1;
	s8 =	sadd.s32 $0x200, s5;
	s10 =	sadd.s32 $0x400, s5  }
0xe: {  	s0 =	sadd.s32 s13, s0;
	s12 =	sadd.s32 s31, s11;
	s13 =	simm.s32 $0x80  }
0xf: {  	[dreg:$0x4] =	wrdreg s6;
	s11 =	sadd.s32 $0x800, s0;
	s12 =	sadd.s32 $0x10000, s12  }
.LBB2_1:
0x10: {  	[tilespmem:s3], [sflag:$0x1] =	stream.linear.gather [hbm4b:s5+s3], $0x80, $0x38;
	[tilespmem:$0x8100] =	vst v63  }
0x11: {  	_ = 	snop  }
0x12: {  	[tilespmem:s13], [sflag:$0x2] =	stream.linear.gather [hbm4b:s8+s3], $0x80, $0x38;
	[tilespmem:$0x8100] =	vst v63  }
0x13: {  	_ =	swait.ge [sflag:s14], $0x80  }
0x14: {  	[sflag:s14] =	ssyncset.done $0x0  }
0x15: {  	[sflag:s14] =	ssyncadd.s32 $0xFFFFFF80  }
0x16: {  	[tilespmem:s15], [sflag:$0x3] =	stream.indirect.gather [hbm4b:s1+s13], $0x80, s3, s13, $0xb8;
	[tilespmem:$0x8100] =	vst v63  }
0x17: {  	_ =	swait.ge [sflag:s16], $0x4000  }
0x18: {  	[sflag:s16] =	ssyncset.done $0x0  }
0x19: {  	[sflag:s16] =	ssyncadd.s32 $0xFFFFC000  }
0x1a: {  	[hbm4b:s9+s3] =	stream.linear.scatter [tilespmem:s15], [sflag:$0x5], $0x4000, $0x38;
	[tilespmem:$0x8100] =	vst v63  }
0x1b: {  	s18 =	sadd.s32 $0x0, s4  }
0x1c: {  	[tilespmem:s3], [sflag:$0x1] =	stream.linear.gather [hbm4b:s10+s3], $0x80, $0x38;
	[tilespmem:$0x8100] =	vst v63  }
0x1d: {  	s20 =	sadd.s32 $0x20, s18;
	_ =	swait.ge [sflag:s17], $0x80  }
0x1e: {  	p0 =	sgt.u32 s20, $0x9C3;
	[sflag:s17] =	ssyncset.done $0x0  }
0x1f: {  	s0 =	simm.s32 $0x4100;
	s20 =	simm.s32 @!p0 $0x4;
	[sflag:s17] =	ssyncadd.s32 $0xFFFFFF80  }
0x20: {  	[tilespmem:s0], [sflag:$0x4] =	stream.indirect.gather [hbm4b:s1+s13], $0x80, s13, s13, $0xb8;
	[tilespmem:$0x8100] =	vst v63  }
0x21: {  	p3 =	sle.u32 s7, $0x40;
	s21 =	sadd.s32 $0x40, s18;
	_ =	swait.ge @!p0 [sflag:s20], $0x4000  }
0x22: {  	s22 =	sadd.s32 $0x60, s18;
	s25 =	simm.s32 @!p3 $0x5;
	[sflag:s20] =	ssyncset.done @!p0 $0x0  }
0x23: {  	s23 =	simm.s32 @!p0 $0x4100;
	s24 =	simm.s32 @!p0 $0x0;
	[sflag:s20] =	ssyncadd.s32 @!p0 $0xFFFFC000  }
0x24: {  	[hbm4b:s12+s24] =	stream.linear.scatter @!p0 [tilespmem:s23], [sflag:$0x6], $0x4000, $0x38;
	[tilespmem:$0x8100] =	vst v63  }
0x25: {  	p1 =	sgt.u32 s22, $0x9C3;
	p2 =	sgt.u32 s21, $0x9C3;
	_ =	swait.ge @!p3 [sflag:s25], $0x4000  }
0x26: {  	s21 =	simm.s32 @!p1 $0x0;
	s22 =	simm.s32 @!p2 $0x1;
	[sflag:s25] =	ssyncset.done @!p3 $0x0  }
0x27: {  	s20 =	sadd.s32 @!p1 $0xFFFFFE00, s11;
	s24 =	simm.s32 @!p1 $0x80;
	[sflag:s25] =	ssyncadd.s32 @!p3 $0xFFFFC000  }
0x28: {  	[tilespmem:s24], [sflag:$0x2] =	stream.linear.gather @!p1 [hbm4b:s20+s21], $0x80, $0x38;
	[tilespmem:$0x8100] =	vst v63  }
0x29: {  	_ =	swait.ge @!p2 [sflag:s22], $0x80  }
0x2a: {  	s25 =	simm.s32 @!p2 $0x0;
	s21 =	simm.s32 @!p2 $0x100;
	[sflag:s22] =	ssyncset.done @!p2 $0x0  }
0x2b: {  	s20 =	simm.s32 @!p2 $0x80;
	[sflag:s22] =	ssyncadd.s32 @!p2 $0xFFFFFF80;
	s22 =	simm.s32 @!p2 $0x3  }
0x2c: {  	[tilespmem:s21], [sflag:$0x3] =	stream.indirect.gather @!p2 [hbm4b:s1+s20], $0x80, s25, s20, $0xb8;
	[tilespmem:$0x8100] =	vst v63  }
0x2d: {  	s26 =	simm.s32 @!p1 $0x4100;
	_ =	swait.ge @!p2 [sflag:s22], $0x4000  }
0x2e: {  	s28 =	sadd.s32 @!p2 $0x10000, s12;
	s29 =	simm.s32 @!p0 $0x6;
	[sflag:s22] =	ssyncset.done @!p2 $0x0  }
0x2f: {  	s0 =	simm.s32 @!p1 $0x2;
	s23 =	simm.s32 $0x80;
	[sflag:s22] =	ssyncadd.s32 @!p2 $0xFFFFC000  }
0x30: {  	[hbm4b:s28+s25] =	stream.linear.scatter @!p2 [tilespmem:s21], [sflag:$0x5], $0x4000, $0x38;
	[tilespmem:$0x8100] =	vst v63  }
0x31: {  	s20 =	sadd.s32 $0x400, s11;
	s22 =	sadd.s32 $0x40, s4;
	s21 =	sadd.s32 $0x20000, s12  }
0x32: {  	s28 =	sadd.s32 $0x80, s18;
	s30 =	sadd.s32 $0x40, s22;
	_ =	swait.ge @!p0 [sflag:s29], $0x4000  }
0x33: {  	s31 =	sadd.s32 $0x60, s22;
	p2 =	sgt.u32 s28, $0x9C3;
	[sflag:s29] =	ssyncset.done @!p0 $0x0  }
0x34: {  	s25 =	simm.s32 @!p2 $0x0;
	[sflag:s29] =	ssyncadd.s32 @!p0 $0xFFFFC000;
	s29 =	sadd.s32 $0x20, s22  }
0x35: {  	[tilespmem:s25], [sflag:$0x1] =	stream.linear.gather @!p2 [hbm4b:s11+s25], $0x80, $0x38;
	[tilespmem:$0x8100] =	vst v63  }
0x36: {  	p0 =	sgt.u32 s29, $0x9C3;
	s25 =	simm.s32 $0x80;
	_ =	swait.ge @!p1 [sflag:s0], $0x80  }
.LBB2_2:
0x37: {  	s2 =	simm.s32 @!p0 $0x4;
	[sflag:s0] =	ssyncset.done @!p1 $0x0;
	s29 =	smov.u32 s23  }
0x38: {  	s23 =	sadd.s32 $0x40, s23;
	s28 =	smov.u32 s20;
	s18 =	smov.u32 s21  }
0x39: {  	p2 =	sne.s32 s23, $0xA00;
	[sflag:s0] =	ssyncadd.s32 @!p1 $0xFFFFFF80  }
0x3a: {  	[tilespmem:s26], [sflag:$0x4] =	stream.indirect.gather @!p1 [hbm4b:s1+s24], $0x80, s24, s24, $0xb8;
	[tilespmem:$0x8100] =	vst v63  }
0x3b: {  	p4 =	sge.u32 s25, s7;
	s0 =	simm.s32 @!p0 $0x4100;
	_ =	swait.ge @!p0 [sflag:s2], $0x4000  }
0x3c: {  	s24 =	simm.s32 @!p0 $0x0;
	s26 =	simm.s32 @!p4 $0x5;
	[sflag:s2] =	ssyncset.done @!p0 $0x0  }
0x3d: {  	s25 =	smov.u32 s23;
	[sflag:s2] =	ssyncadd.s32 @!p0 $0xFFFFC000  }
0x3e: {  	[hbm4b:s21+s24] =	stream.linear.scatter @!p0 [tilespmem:s0], [sflag:$0x6], $0x4000, $0x38;
	[tilespmem:$0x8100] =	vst v63  }
0x3f: {  	p3 =	sgt.u32 s30, $0x9C3;
	p1 =	sgt.u32 s31, $0x9C3;
	_ =	swait.ge @!p4 [sflag:s26], $0x4000  }
0x40: {  	s2 =	simm.s32 @!p1 $0x0;
	s0 =	sadd.s32 @!p1 $0xFFFFFE00, s20;
	[sflag:s26] =	ssyncset.done @!p4 $0x0  }
0x41: {  	s30 =	simm.s32 @!p3 $0x1;
	s24 =	simm.s32 @!p1 $0x80;
	[sflag:s26] =	ssyncadd.s32 @!p4 $0xFFFFC000  }
0x42: {  	[tilespmem:s24], [sflag:$0x2] =	stream.linear.gather @!p1 [hbm4b:s0+s2], $0x80, $0x38;
	[tilespmem:$0x8100] =	vst v63  }
0x43: {  	s26 =	simm.s32 @!p1 $0x4100;
	s2 =	simm.s32 @!p3 $0x100;
	_ =	swait.ge @!p3 [sflag:s30], $0x80  }
0x44: {  	s31 =	simm.s32 @!p3 $0x0;
	s0 =	simm.s32 @!p3 $0x80;
	[sflag:s30] =	ssyncset.done @!p3 $0x0  }
0x45: {  	[sflag:s30] =	ssyncadd.s32 @!p3 $0xFFFFFF80;
	s30 =	simm.s32 @!p3 $0x3  }
0x46: {  	[tilespmem:s2], [sflag:$0x3] =	stream.indirect.gather @!p3 [hbm4b:s1+s0], $0x80, s31, s0, $0xb8;
	[tilespmem:$0x8100] =	vst v63  }
0x47: {  	s20 =	sadd.s32 $0x400, s20;
	s21 =	sadd.s32 $0x20000, s21;
	_ =	swait.ge @!p3 [sflag:s30], $0x4000  }
0x48: {  	s6 =	simm.s32 @!p0 $0x6;
	s18 =	sadd.s32 @!p3 $0x10000, s18;
	[sflag:s30] =	ssyncset.done @!p3 $0x0  }
0x49: {  	s22 =	sadd.s32 $0x80, s22;
	s0 =	simm.s32 @!p1 $0x2;
	[sflag:s30] =	ssyncadd.s32 @!p3 $0xFFFFC000  }
0x4a: {  	[hbm4b:s18+s31] =	stream.linear.scatter @!p3 [tilespmem:s2], [sflag:$0x5], $0x4000, $0x38;
	[tilespmem:$0x8100] =	vst v63  }
.Ltmp0:
0x4b: {  	p3 =	sgt.u32 s22, $0x9C3;
	_ =	swait.ge @!p0 [sflag:s6], $0x4000;
	(pc) =	sbr.rel @p2 .LBB2_2-.Ltmp0, $4  }
0x4c: {  	s22 =	sadd.s32 s29, s4;
	s2 =	simm.s32 @!p3 $0x0;
	[sflag:s6] =	ssyncset.done @!p0 $0x0  }
0x4d: {  	s30 =	sadd.s32 $0x40, s22;
	s18 =	sadd.s32 $0x20, s22;
	[sflag:s6] =	ssyncadd.s32 @!p0 $0xFFFFC000  }
0x4e: {  	[tilespmem:s2], [sflag:$0x1] =	stream.linear.gather @!p3 [hbm4b:s28+s2], $0x80, $0x38;
	[tilespmem:$0x8100] =	vst v63  }
0x4f: {  	s31 =	sadd.s32 $0x60, s22;
	p0 =	sgt.u32 s18, $0x9C3;
	_ =	swait.ge @!p1 [sflag:s0], $0x80  }
0x50: {  	[sflag:s0] =	ssyncset.done @!p1 $0x0  }
0x51: {  	s2 =	simm.s32 @!p0 $0x4;
	[sflag:s0] =	ssyncadd.s32 @!p1 $0xFFFFFF80  }
0x52: {  	[tilespmem:s26], [sflag:$0x4] =	stream.indirect.gather @!p1 [hbm4b:s1+s24], $0x80, s24, s24, $0xb8;
	[tilespmem:$0x8100] =	vst v63  }
0x53: {  	_ =	swait.ge @!p0 [sflag:s2], $0x4000  }
0x54: {  	p3 =	sge.u32 s25, s7;
	s6 =	simm.s32 @!p0 $0x0;
	[sflag:s2] =	ssyncset.done @!p0 $0x0  }
0x55: {  	s0 =	simm.s32 @!p0 $0x4100;
	s18 =	simm.s32 @!p3 $0x5;
	[sflag:s2] =	ssyncadd.s32 @!p0 $0xFFFFC000  }
0x56: {  	[hbm4b:s21+s6] =	stream.linear.scatter @!p0 [tilespmem:s0], [sflag:$0x6], $0x4000, $0x38;
	[tilespmem:$0x8100] =	vst v63  }
0x57: {  	p2 =	sgt.u32 s30, $0x9C3;
	p1 =	sgt.u32 s31, $0x9C3;
	_ =	swait.ge @!p3 [sflag:s18], $0x4000  }
0x58: {  	s2 =	simm.s32 @!p1 $0x0;
	s0 =	sadd.s32 @!p1 $0xFFFFFE00, s20;
	[sflag:s18] =	ssyncset.done @!p3 $0x0  }
0x59: {  	s6 =	simm.s32 @!p1 $0x80;
	[sflag:s18] =	ssyncadd.s32 @!p3 $0xFFFFC000;
	s18 =	simm.s32 @!p2 $0x1  }
0x5a: {  	[tilespmem:s6], [sflag:$0x2] =	stream.linear.gather @!p1 [hbm4b:s0+s2], $0x80, $0x38;
	[tilespmem:$0x8100] =	vst v63  }
0x5b: {  	_ =	swait.ge @!p2 [sflag:s18], $0x80  }
0x5c: {  	s23 =	simm.s32 @!p2 $0x0;
	s0 =	simm.s32 @!p2 $0x100;
	[sflag:s18] =	ssyncset.done @!p2 $0x0  }
0x5d: {  	s2 =	simm.s32 @!p2 $0x80;
	[sflag:s18] =	ssyncadd.s32 @!p2 $0xFFFFFF80;
	s18 =	simm.s32 @!p2 $0x3  }
0x5e: {  	[tilespmem:s0], [sflag:$0x3] =	stream.indirect.gather @!p2 [hbm4b:s1+s2], $0x80, s23, s2, $0xb8;
	[tilespmem:$0x8100] =	vst v63  }
0x5f: {  	_ =	swait.ge @!p2 [sflag:s18], $0x4000  }
0x60: {  	[sflag:s18] =	ssyncset.done @!p2 $0x0  }
0x61: {  	s2 =	sadd.s32 @!p2 $0x10000, s21;
	s21 =	simm.s32 @!p0 $0x6;
	[sflag:s18] =	ssyncadd.s32 @!p2 $0xFFFFC000  }
0x62: {  	[hbm4b:s2+s23] =	stream.linear.scatter @!p2 [tilespmem:s0], [sflag:$0x5], $0x4000, $0x38;
	[tilespmem:$0x8100] =	vst v63  }
0x63: {  	s30 =	sadd.s32 $0x80, s22;
	_ =	swait.ge @!p0 [sflag:s21], $0x4000  }
0x64: {  	p2 =	sgt.u32 s30, $0x9C3;
	[sflag:s21] =	ssyncset.done @!p0 $0x0  }
0x65: {  	s0 =	simm.s32 @!p1 $0x2;
	s2 =	simm.s32 @!p2 $0x0;
	[sflag:s21] =	ssyncadd.s32 @!p0 $0xFFFFC000  }
0x66: {  	[tilespmem:s2], [sflag:$0x1] =	stream.linear.gather @!p2 [hbm4b:s20+s2], $0x80, $0x38;
	[tilespmem:$0x8100] =	vst v63  }
0x67: {  	_ =	swait.ge @!p1 [sflag:s0], $0x80  }
0x68: {  	s19 =	sadd.s32 $0x1, s19;
	s31 =	rddreg [dreg:$0x4]  }
0x69: {  	p0 =	sne.s32 s19, s31  }
.Ltmp1:
0x6a: {  	_ = 	snop;
	(pc) =	sbr.rel @p0 .LBB2_1-.Ltmp1, $4  }
0x6b: {  	_ = 	snop  }
0x6c: {  	[sflag:s0] =	ssyncset.done @!p1 $0x0  }
0x6d: {  	s2 =	simm.s32 @!p1 $0x4100;
	[sflag:s0] =	ssyncadd.s32 @!p1 $0xFFFFFF80  }
0x6e: {  	[tilespmem:s2], [sflag:$0x4] =	stream.indirect.gather @!p1 [hbm4b:s1+s6], $0x80, s6, s6, $0xb8;
	[tilespmem:$0x8100] =	vst v63  }
0x6f: {  	_ =	sfence.sel $0x180000  }
0x70: {  	[bflag:$0x0] =	sbarrier.arrive $0xFFFF  }
0x71: {  	_ =	strace $0x90000047  }
0x72: {  	s0 =	stileid.u32;
	[bflag:$0x2] =	sbarrier.arrive $0xFFFF  }
0x73: {  	p0 =	sne.s32 s0, $0x0;
	s0 =	rddreg [dreg:$0x3]  }
0x74: {  	s0 =	sadd.s32 @!p0 $0x100000, s0  }
0x75: {  	[sflag:s0] =	ssyncadd.tile.s32 @!p0 $0x1;
	_ =	shalt  }
.Lfunc_end2:
_tile_overlayer_lowered:
.L_overlay_start_2:
0x76: {  	(tag) =	ssettag $0x2  }
0x77: {  	s0 =	rddreg [dreg:$0x0];
	s2 =	stileid.u32  }
0x78: {  	s1 =	rddreg [dreg:$0x1];
	p0 =	sne.s32 s2, $0x0  }
0x79: {  	s3 =	rddreg [dreg:$0x2];
	[bflag:$0x3] =	sbarrier.arrive $0xFFFF;
	s2 =	simm.s32 @!p0 $0x1C07  }
0x7a: {  	[timem:s3], [sflag:s2] =	dma.local @!p0 [hbm:s0], s1  }
0x7b: {  	s0 =	simm.s32 @!p0 $0x7  }
0x7c: {  	_ =	swait.ge @!p0 [sflag:s0], s1  }
0x7d: {  	s1 =	ssub.s32 @!p0 $0x0, s1;
	[sflag:s0] =	ssyncset.done @!p0 $0x0  }
0x7e: {  	[sflag:s0] =	ssyncadd.s32 @!p0 s1  }
0x7f: {  	[bflag:$0x3] =	sbarrier.arrive $0xFFFF  }
0x80: {  	_ =	shalt  }

// kernel: kernel.9.cloned.1.call-start
scs
__scs_entry_jumppad:
0x0: {  	(pc) =	sbr.rel $0x88, $3  }
0x1: {  	(tag) =	ssettag $0x0;
	lr =	simm.s32 $0x1  }
0x2: {  	[smem:$0x3F92] =	sst lr;
	_ =	strace $0xD0000000  }
0x3: {  	_ = 	snop  }
0x4: {  	_ = 	snop  }
0x5: {  	_ = 	snop  }
0x6: {  	_ = 	snop  }
0x7: {  	_ = 	snop  }
__scs_overlays_trampoline_lowered:
0x8: {  	[smem:$0x3FA1] =	sst s0  }
0x9: {  	[smem:$0x3FA2] =	sst s1  }
0xa: {  	[smem:$0x3FA3] =	sst s2  }
0xb: {  	[smem:$0x3FA4] =	sst s3  }
0xc: {  	[smem:$0x3FA5] =	sst s4  }
0xd: {  	[smem:$0x3FA6] =	sst s5  }
0xe: {  	[smem:$0x3FA7] =	sst s6  }
0xf: {  	[smem:$0x3FA8] =	sst s7  }
0x10: {  	[smem:$0x3FA9] =	sst s8  }
0x11: {  	[smem:$0x3FAA] =	sst s9;
	s0 =	simm.s32 @!p0 $0x0  }
0x12: {  	s1 =	sld [smem:$0x3F90];
	s0 =	simm.s32 @p0 $0x1  }
0x13: {  	[smem:$0x3FAB] =	sst s0;
	s0 =	simm.s32 @!p1 $0x0  }
0x14: {  	s2 =	sld [smem:$0x3F8F];
	s0 =	simm.s32 @p1 $0x1  }
0x15: {  	[smem:$0x3FAC] =	sst s0;
	s0 =	simm.s32 @!p2 $0x0  }
0x16: {  	s3 =	sld [smem:$0x3FDB];
	s0 =	simm.s32 @p2 $0x1  }
0x17: {  	s4 =	simm.s32 $0x1BF5;
	[smem:$0x3FAE] =	sst s0  }
0x18: {  	s0 =	sld [smem:$0x3F91];
	_ =	swait.ge [sflag:s4], $0x0  }
0x19: {  	s7 =	sld [smem:$0x3F92]  }
0x1a: {  	s8 =	sadd.s32 $0xFFFFE003, lr  }
0x1b: {  	s9 =	sadd.s32 $0xFFFFFEF7, lr;
	s5 =	simm.s32 $0xFFFFFFFF;
	p2 =	slt.u32 s8, $0xFFFFF086  }
0x1c: {  	p1 =	slt.u32 s9, $0xF7A;
	s5 =	simm.s32 @!p2 $0x0  }
0x1d: {  	s5 =	simm.s32 @p1 $0x1;
	p0 =	seq.s32 s7, s2  }
0x1e: {  	s7 =	smul.u32 @!p0 $0xF7A, s2;
	p2 =	seq.s32 @!p0 s5, $0x0  }
0x1f: {  	s9 =	smul.u32 $0xF7A, s1;
	s8 =	simm.s32 @!p0 $0x1BF5;
	p2 =	por !p2, p0  }
0x20: {  	[sflag:s8] =	ssyncset.s32 @!p0 $0xFFFFF086;
	s6 =	sadd.s32 @!p0 s3, s7;
	s7 =	simm.s32 @!p0 $0x108  }
0x21: {  	s3 =	sadd.s32 s3, s9;
	s6 =	sadd.s32 @!p0 $0x88, s6;
	s7 =	simm.s32 @p2 $0x1082  }
0x22: {  	[simem:s7], [sflag:s8] =	dma.local @!p0 [hbm:s6], $0xF7A  }
0x23: {  	s9 =	sor.u32 $0xD0000000, s2;
	s6 =	simm.s32 $0x108;
	_ =	swait.ge @!p0 [sflag:s8], $0x0  }
0x24: {  	s3 =	sadd.s32 $0x88, s3;
	s6 =	simm.s32 @!p1 $0x1082;
	[sflag:s4] =	ssyncset.s32 $0xFFFFF086  }
0x25: {  	[simem:s6], [sflag:s4] =	dma.local [hbm:s3], $0xF7A  }
0x26: {  	[smem:$0x3F92] =	sst s1;
	(tag) =	ssettag s2;
	_ =	strace s9  }
0x27: {  	s1 =	sld [smem:$0x3FA2]  }
0x28: {  	s2 =	sld [smem:$0x3FA3]  }
0x29: {  	s4 =	sld [smem:$0x3FA5]  }
0x2a: {  	p0 =	seq.s32 s5, $0x0;
	s5 =	sld [smem:$0x3FA6]  }
0x2b: {  	s6 =	sld [smem:$0x3FA7]  }
0x2c: {  	s7 =	sld [smem:$0x3FA8]  }
0x2d: {  	s3 =	simm.s32 $0x108;
	s8 =	sld [smem:$0x3FA9]  }
0x2e: {  	s3 =	simm.s32 @!p0 $0x1082;
	s9 =	sld [smem:$0x3FAA]  }
0x2f: {  	lr =	sadd.s32 s0, s3;
	s0 =	sld [smem:$0x3FA1]  }
0x30: {  	s3 =	sld [smem:$0x3FA4]  }
0x31: {  	[smem:$0x3FAD] =	sst s10  }
0x32: {  	s10 =	sld [smem:$0x3FAB];
	_ =	sdelay $0x3  }
0x33: {  	p0 =	seq.s32 s10, $0x1;
	s10 =	sld [smem:$0x3FAD];
	_ =	sdelay $0x3  }
0x34: {  	[smem:$0x3FAD] =	sst s10  }
0x35: {  	s10 =	sld [smem:$0x3FAC];
	_ =	sdelay $0x3  }
0x36: {  	p1 =	seq.s32 s10, $0x1;
	s10 =	sld [smem:$0x3FAD];
	_ =	sdelay $0x3  }
0x37: {  	[smem:$0x3FAD] =	sst s10  }
0x38: {  	s10 =	sld [smem:$0x3FAE]  }
0x39: {  	_ = 	snop;
	(pc) =	sbr.ind lr, $3  }
0x3a: {  	_ = 	snop  }
0x3b: {  	_ = 	snop  }
0x3c: {  	p2 =	seq.s32 s10, $0x1;
	s10 =	sld [smem:$0x3FAD]  }
0x3d: {  	_ =	shalt  }
0x3e: {  	_ =	shalt  }
0x3f: {  	_ =	shalt  }
0x40: {  	_ =	shalt  }
0x41: {  	_ =	shalt  }
0x42: {  	_ =	shalt  }
0x43: {  	_ =	shalt  }
0x44: {  	_ =	shalt  }
0x45: {  	_ =	shalt  }
0x46: {  	_ =	shalt  }
0x47: {  	_ =	shalt  }
0x48: {  	_ =	shalt  }
0x49: {  	_ =	shalt  }
0x4a: {  	_ =	shalt  }
0x4b: {  	_ =	shalt  }
0x4c: {  	_ =	shalt  }
0x4d: {  	_ =	shalt  }
0x4e: {  	_ =	shalt  }
0x4f: {  	_ =	shalt  }
0x50: {  	_ =	shalt  }
0x51: {  	_ =	shalt  }
0x52: {  	_ =	shalt  }
0x53: {  	_ =	shalt  }
0x54: {  	_ =	shalt  }
0x55: {  	_ =	shalt  }
0x56: {  	_ =	shalt  }
0x57: {  	_ =	shalt  }
0x58: {  	_ =	shalt  }
0x59: {  	_ =	shalt  }
0x5a: {  	_ =	shalt  }
0x5b: {  	_ =	shalt  }
0x5c: {  	_ =	shalt  }
0x5d: {  	_ =	shalt  }
0x5e: {  	_ =	shalt  }
0x5f: {  	_ =	shalt  }
0x60: {  	_ =	shalt  }
0x61: {  	_ =	shalt  }
0x62: {  	_ =	shalt  }
0x63: {  	_ =	shalt  }
0x64: {  	_ =	shalt  }
0x65: {  	_ =	shalt  }
0x66: {  	_ =	shalt  }
0x67: {  	_ =	shalt  }
0x68: {  	_ =	shalt  }
0x69: {  	_ =	shalt  }
0x6a: {  	_ =	shalt  }
0x6b: {  	_ =	shalt  }
0x6c: {  	_ =	shalt  }
0x6d: {  	_ =	shalt  }
0x6e: {  	_ =	shalt  }
0x6f: {  	_ =	shalt  }
0x70: {  	_ =	shalt  }
0x71: {  	_ =	shalt  }
0x72: {  	_ =	shalt  }
0x73: {  	_ =	shalt  }
0x74: {  	_ =	shalt  }
0x75: {  	_ =	shalt  }
0x76: {  	_ =	shalt  }
0x77: {  	_ =	shalt  }
0x78: {  	_ =	shalt  }
0x79: {  	_ =	shalt  }
0x7a: {  	_ =	shalt  }
0x7b: {  	_ =	shalt  }
0x7c: {  	_ =	shalt  }
0x7d: {  	_ =	shalt  }
0x7e: {  	_ =	shalt  }
0x7f: {  	_ =	shalt  }
0x80: {  	_ =	shalt  }
0x81: {  	_ =	shalt  }
0x82: {  	_ =	shalt  }
0x83: {  	_ =	shalt  }
0x84: {  	_ =	shalt  }
0x85: {  	_ =	shalt  }
0x86: {  	_ =	shalt  }
0x87: {  	_ =	shalt  }
.Lfunc_end0:
.L_simem_size_0:
called_computation.1_lowered:
.L_overlay_start_0:
0x88: {  	s2 =	sld [smem:$0x3FD9]  }
0x89: {  	s3 =	sld [smem:$0x3FFE];
	_ =	sdelay $0x1  }
0x8a: {  	s1 =	srdreg.scid  }
0x8b: {  	s0 =	sand.u32 $0x1, s1  }
0x8c: {  	s17 =	sshll.u32 s0, $0xA;
	s2 =	sadd.s32 s3, s2  }
0x8d: {  	s2 =	sadd.s32 s2, s17  }
0x8e: {  	[smem:$0x3FB9] =	sst s2  }
0x8f: {  	_ = 	snop  }
0x90: {  	s2 =	sld [smem:$0x3FD0];
	(tm) =	ssettm $0x1  }
0x91: {  	s18 =	sld [smem:$0x3FFB];
	_ =	sdelay $0x3  }
0x92: {  	_ =	strace s18  }
0x93: {  	s3 =	sld [smem:$0x3FFC];
	_ =	sdelay $0x3  }
0x94: {  	_ =	strace s3  }
0x95: {  	s3 =	sld [smem:$0x3FFD];
	_ =	sdelay $0x3  }
0x96: {  	_ =	strace s3  }
0x97: {  	_ =	strace $0x8FFFFFFF  }
0x98: {  	s19 =	sld [smem:$0x3FDB];
	_ =	sdelay $0x1  }
0x99: {  	s4 =	simm.s32 $_scs_section_size  }
0x9a: {  	s5 =	simm.s32 $_size__tile_overlayer_lowered;
	s6 =	simm.s32 $_tile_overlayer_lowered  }
0x9b: {  	s22 =	simm.s32 $0x1BFF;
	s21 =	sshll.u32 s6, $0x1;
	s3 =	sadd.s32 s4, s19  }
0x9c: {  	s7 =	simm.s32 $0x0;
	s20 =	sshll.u32 s5, $0x1;
	s5 =	sadd.s32 s21, s3  }
0x9d: {  	[timem:s7], [sflag:s22] =	dma.local [hbm:s5], s20  }
0x9e: {  	_ =	swait.ge [sflag:s22], s20  }
0x9f: {  	s4 =	ssub.s32 $0x0, s20;
	[sflag:s22] =	ssyncset.done $0x0  }
0xa0: {  	[sflag:s22] =	ssyncadd.s32 s4;
	_ =	sdelay $0x1  }
0xa1: {  	s23 =	simm.s32 $0x1B8B  }
0xa2: {  	_ =	swait.ge [sflag:s23], $0x1  }
0xa3: {  	[sflag:s23] =	ssyncset.done $0x0  }
0xa4: {  	s25 =	simm.s32 $0x1B8E;
	s24 =	sld [smem:$0x3FFE];
	[sflag:s23] =	ssyncadd.s32 $0xFFFFFFFF  }
0xa5: {  	s26 =	simm.s32 $execute0_lowered;
	[smem:$0x3FD2] =	sst s25  }
0xa6: {  	s5 =	sshll.u32 s26, $0x1;
	_ =	strace $0x80000049;
	[dreg:$0x1] =	wrdreg $0xFFFFFFFF  }
0xa7: {  	s28 =	simm.s32 $_size_execute0_lowered;
	s3 =	sadd.s32 s3, s5;
	[dreg:$0x0] =	wrdreg $0x0  }
0xa8: {  	s5 =	sshll.u32 s28, $0x1;
	[dreg:$0x2] =	wrdreg s3  }
0xa9: {  	[dreg:$0x3] =	wrdreg s5  }
0xaa: {  	[dreg:$0x4] =	wrdreg $0xC0  }
0xab: {  	_ =	task [dreg:s7], $0x5FFFF  }
0xac: {  	[dreg:$0x1] =	wrdreg $0xFFFFFFFF  }
0xad: {  	[dreg:$0x0] =	wrdreg $0x60  }
0xae: {  	[dreg:$0x2] =	wrdreg s24  }
0xaf: {  	[dreg:$0x3] =	wrdreg s2  }
0xb0: {  	[dreg:$0x4] =	wrdreg $0xC1800  }
0xb1: {  	[dreg:$0x5] =	wrdreg $0x9  }
0xb2: {  	_ =	task.clear_ibuf [dreg:s7], $0x6FFFF;
	_ =	strace $0x90000049  }
0xb3: {  	s29 =	simm.s32 $0x9;
	_ =	strace $0x8000004B  }
0xb4: {  	_ =	swait.ge [sflag:s29], $0x1  }
0xb5: {  	[sflag:s29] =	ssyncadd.s32 $0xFFFFFFFF  }
0xb6: {  	_ =	strace $0x9000004B  }
0xb7: {  	_ =	sfence  }
0xb8: {  	s30 =	sld [smem:$0x0];
	_ =	sdelay $0x2  }
0xb9: {  	s31 =	sshll.u32 s1, $0xD;
	s1 =	sshrl.u32 s1, $0x2  }
0xba: {  	s3 =	sand.u32 $0x4000, s31;
	s1 =	sadd.s32 s1, s30  }
0xbb: {  	s0 =	sor.u32 s3, s0;
	s1 =	sshll.u32 s1, $0x11  }
0xbc: {  	s0 =	sor.u32 s1, s0  }
0xbd: {  	s0 =	sadd.s32 $0x8F2B, s0  }
0xbe: {  	[sflag:s0] =	ssyncadd.remote.s32 $0x1  }
0xbf: {  	_ =	sfence.sel $0xFFFF  }
0xc0: {  	[dreg:$0x0] =	wrdreg $0xFFFFFFFF;
	(pc) =	sbr.abs _section_cstart, $3  }
0xc1: {  	[dreg:$0x1] =	wrdreg $0xFFFFFFFF  }
0xc2: {  	_ =	task.clear_ibuf [dreg:s7], $0x2FFFF;
	_ =	strace $0x9FFFFFFF  }
0xc3: {  	(tm) =	ssettm $0x7FFFFFFF  }
tec
execute0_lowered:
.L_overlay_start_1:
0x0: {  	(tag) =	ssettag $0x1  }
0x1: {  	s5 =	rddreg [dreg:$0x0]  }
0x2: {  	s8 =	rddreg [dreg:$0x1]  }
0x3: {  	s1 =	rddreg [dreg:$0x2];
	s2 =	simm.s32 $0x0;
	s3 =	stileid.u32  }
0x4: {  	s6 =	srdreg.scid;
	[smem:$0x7FF] =	sst s2  }
0x5: {  	s4 =	sshll.u32 s3, $0xB;
	s30 =	sshll.u32 s3, $0x4;
	s7 =	smul.u32 $0x4E000, s3  }
0x6: {  	s19 =	sand.u32 $0x1, s6;
	s10 =	smul.u32 $0x2700, s3;
	s11 =	ssub.s32 $0x9F4, s3  }
0x7: {  	s12 =	ssub.s32 $0x9E4, s3;
	s14 =	sshll.u32 s3, $0x6;
	s13 =	ssub.s32 $0x9D4, s3  }
0x8: {  	p1 =	seq.s32 s3, $0x0;
	_ =	strace $0x8000004A;
	s18 =	sadd.s32 s4, s5  }
0x9: {  	s15 =	sadd.s32 s30, s5;
	s6 =	ssub.s32 $0x2, s19;
	s4 =	sadd.s32 $0xC400, s5  }
0xa: {  	s5 =	sadd.s32 $0x33600, s5;
	s14 =	sor.u32 $0x1C0A, s14;
	p0 =	sne.s32 s19, $0x0  }
0xb: {  	s31 =	sshrl.u32 s7, $0x2;
	s7 =	sadd.s32 $0x138000, s1;
	s15 =	sadd.s32 $0x2800, s15  }
0xc: {  	s9 =	sshrl.u32 s6, $0x1;
	s17 =	sadd.s32 $0x9E0400, s18;
	s18 =	sadd.s32 $0x4FE400, s18  }
0xd: {  	s0 =	simm.s32 @!p0 $0x0;
	s16 =	ssub.s32 s6, s9;
	s20 =	sadd.s32 s31, s1  }
.Ltmp0:
0xe: {  	s6 =	sadd.s32 s8, s10;
	s8 =	sadd.s32 $0x27000, s8;
	(pc) =	sbr.rel .LBB2_1-.Ltmp0, $4  }
0xf: {  	s9 =	sadd.s32 s5, s10;
	s10 =	sadd.s32 s4, s10;
	s0 =	simm.s32 @p0 $0x1  }
0x10: {  	p0 =	sne.s32 s3, $0x0;
	[smem:$0x7FC] =	sst s0;
	s0 =	simm.s32 @!p1 $0x0  }
0x11: {  	s16 =	smax.u32 s16, $0x1;
	s19 =	sshrl.u32 s20, $0x3;
	s0 =	simm.s32 @p1 $0x1  }
0x12: {  	s20 =	simm.s32 $0xA;
	s21 =	sshrl.u32 @!p0 s7, $0x3;
	[smem:$0x7FD] =	sst s0  }
.LBB2_8:
0x13: {  	s0 =	sadd.s32 $0x27000, s22;
	s31 =	sshrl.u32 s7, $0x3  }
0x14: {  	[hbm:s0], [sflag:s14] =	dma.local [spmem:s31], $0x100  }
0x15: {  	_ =	swait.ge [sflag:s20], $0x100  }
0x16: {  	[sflag:s20] =	ssyncset.done $0x0  }
0x17: {  	[sflag:s20] =	ssyncadd.s32 $0xFFFFFF00  }
.LBB2_9:
0x18: {  	s2 =	sadd.s32 $0x1, s2  }
0x19: {  	p1 =	sne.s32 s2, s16  }
.Ltmp1:
0x1a: {  	_ = 	snop;
	(pc) =	sbr.rel @!p1 .LBB2_10-.Ltmp1, $1  }
0x1b: {  	_ =	sdelay $0x3  }
.LBB2_1:
0x1c: {  	[spmem:s19], [sflag:s14] =	dma.local [hbm:s6], $0x2700  }
0x1d: {  	_ =	swait.ge [sflag:s20], $0x2700  }
0x1e: {  	s0 =	sld [smem:$0x7FC];
	_ =	sdelay $0x2  }
0x1f: {  	p1 =	seq.s32 s0, $0x1  }
.Ltmp2:
0x20: {  	_ = 	snop;
	(pc) =	sbr.rel @p1 .LBB2_5-.Ltmp2, $3  }
0x21: {  	_ =	sdelay $0x1  }
0x22: {  	[sflag:s20] =	ssyncset.done $0x0  }
0x23: {  	[sflag:s20] =	ssyncadd.s32 $0xFFFFD900  }
0x24: {  	[spmem:s21], [sflag:s14] =	dma.local @!p0 [hbm:s8], $0x100  }
0x25: {  	s22 =	simm.s32 @!p0 $0xA  }
0x26: {  	p2 =	por $0x1, $0x1;
	_ =	swait.ge @!p0 [sflag:s22], $0x100  }
0x27: {  	p1 =	sle.u32 @!p2 s11, $0x0;
	[sflag:s22] =	ssyncset.done @!p0 $0x0  }
0x28: {  	p3 =	por p1, p2;
	[sflag:s22] =	ssyncadd.s32 @!p0 $0xFFFFFF00  }
0x29: {  	s22 =	simm.s32 @!p3 $0x7;
	[bflag:$0x0] =	sbarrier.arrive $0xFFFF  }
0x2a: {  	s23 =	sadd.s32 $0x0, s3;
	_ =	swait.ge @!p3 [sflag:s22], $0x4000  }
0x2b: {  	p1 =	sgt.u32 s23, $0x9C3;
	[sflag:s22] =	ssyncset.done @!p3 $0x0  }
0x2c: {  	s24 =	simm.s32 @!p1 $0x0;
	[sflag:s22] =	ssyncadd.s32 @!p3 $0xFFFFC000;
	s22 =	sadd.s32 @!p1 $0xFFFFFE00, s15  }
0x2d: {  	[tilespmem:s24], [sflag:$0x1] =	stream.linear.gather @!p1 [hbm4b:s22+s24], $0x80, $0x38;
	[tilespmem:$0x1FA00] =	vst v63  }
0x2e: {  	s25 =	simm.s32 @!p1 $0x180;
	s26 =	simm.s32 @!p1 $0x1;
	s22 =	sadd.s32 @!p1 $0xFFFF0000, s18  }
0x2f: {  	[tilespmem:s25], [sflag:$0x4] =	stream.linear.gather @!p1 [hbm4b:s22+s24], $0x4000, $0x38;
	[tilespmem:$0x1FA00] =	vst v63  }
0x30: {  	_ =	swait.ge @!p1 [sflag:s26], $0x80  }
0x31: {  	[sflag:s26] =	ssyncset.done @!p1 $0x0  }
0x32: {  	s22 =	simm.s32 @!p1 $0x4;
	[sflag:s26] =	ssyncadd.s32 @!p1 $0xFFFFFF80  }
0x33: {  	p3 =	sle.u32 @!p2 s12, $0x0;
	_ =	swait.ge @!p1 [sflag:s22], $0x4000  }
0x34: {  	s31 =	sadd.s32 $0x10, s23;
	p3 =	por p3, p2;
	[sflag:s22] =	ssyncset.done @!p1 $0x0  }
0x35: {  	s26 =	simm.s32 @!p3 $0x8;
	[sflag:s22] =	ssyncadd.s32 @!p1 $0xFFFFC000;
	s22 =	simm.s32 @!p1 $0x80  }
0x36: {  	[spmem:s1] =	stream.indirect.scatter.add.f32 @!p1 [tilespmem:s25], [sflag:$0x7], $0x80, s24, s22, $0xb8;
	[tilespmem:$0x1FA00] =	vst v63  }
0x37: {  	p1 =	sgt.u32 s31, $0x9C3;
	_ =	swait.ge @!p3 [sflag:s26], $0x4000  }
0x38: {  	s22 =	sadd.s32 @!p1 $0xFFFFFF00, s15;
	[sflag:s26] =	ssyncset.done @!p3 $0x0  }
0x39: {  	s24 =	simm.s32 @!p1 $0x0;
	s25 =	simm.s32 @!p1 $0x80;
	[sflag:s26] =	ssyncadd.s32 @!p3 $0xFFFFC000  }
0x3a: {  	[tilespmem:s25], [sflag:$0x2] =	stream.linear.gather @!p1 [hbm4b:s22+s24], $0x80, $0x38;
	[tilespmem:$0x1FA00] =	vst v63  }
0x3b: {  	s28 =	simm.s32 @!p1 $0x2;
	s26 =	simm.s32 @!p1 $0x4180;
	s22 =	sadd.s32 @!p1 $0xFFFF8000, s18  }
0x3c: {  	[tilespmem:s26], [sflag:$0x5] =	stream.linear.gather @!p1 [hbm4b:s22+s24], $0x4000, $0x38;
	[tilespmem:$0x1FA00] =	vst v63  }
0x3d: {  	_ =	swait.ge @!p1 [sflag:s28], $0x80  }
0x3e: {  	[sflag:s28] =	ssyncset.done @!p1 $0x0  }
0x3f: {  	s22 =	simm.s32 @!p1 $0x5;
	[sflag:s28] =	ssyncadd.s32 @!p1 $0xFFFFFF80  }
0x40: {  	p3 =	sle.u32 @!p2 s13, $0x0;
	_ =	swait.ge @!p1 [sflag:s22], $0x4000  }
0x41: {  	p3 =	por p3, p2;
	[sflag:s22] =	ssyncset.done @!p1 $0x0  }
0x42: {  	[sflag:s22] =	ssyncadd.s32 @!p1 $0xFFFFC000;
	s22 =	simm.s32 @!p3 $0x9  }
0x43: {  	[spmem:s1] =	stream.indirect.scatter.add.f32 @!p1 [tilespmem:s26], [sflag:$0x8], $0x80, s25, s25, $0xb8;
	[tilespmem:$0x1FA00] =	vst v63  }
0x44: {  	s23 =	sadd.s32 $0x20, s23;
	_ =	swait.ge @!p3 [sflag:s22], $0x4000  }
0x45: {  	p2 =	sgt.u32 s23, $0x9C3;
	s23 =	sadd.s32 $0x300, s15;
	[sflag:s22] =	ssyncset.done @!p3 $0x0  }
0x46: {  	s26 =	simm.s32 @!p2 $0x100;
	[sflag:s22] =	ssyncadd.s32 @!p3 $0xFFFFC000;
	s22 =	simm.s32 @!p2 $0x0  }
0x47: {  	[tilespmem:s26], [sflag:$0x3] =	stream.linear.gather @!p2 [hbm4b:s15+s22], $0x80, $0x38;
	[tilespmem:$0x1FA00] =	vst v63  }
0x48: {  	s30 =	simm.s32 @!p2 $0x3;
	s29 =	simm.s32 @!p2 $0x6;
	s28 =	simm.s32 @!p2 $0x8180  }
0x49: {  	[tilespmem:s28], [sflag:$0x6] =	stream.linear.gather @!p2 [hbm4b:s18+s22], $0x4000, $0x38;
	[tilespmem:$0x1FA00] =	vst v63  }
0x4a: {  	s24 =	simm.s32 $0x30;
	p3 =	por $0x0, $0x0;
	_ =	swait.ge @!p2 [sflag:s30], $0x80  }
0x4b: {  	s25 =	simm.s32 $0x60;
	p1 =	sle.u32 @!p3 s11, $0x30;
	[sflag:s30] =	ssyncset.done @!p2 $0x0  }
0x4c: {  	p6 =	sle.u32 @!p3 s12, $0x30;
	s22 =	sadd.s32 $0x18000, s18;
	[sflag:s30] =	ssyncadd.s32 @!p2 $0xFFFFFF80  }
.LBB2_3:
0x4d: {  	p1 =	por p1, p3  }
0x4e: {  	p5 =	sge.u32 @!p3 s24, s13;
	_ =	swait.ge @!p2 [sflag:s29], $0x4000;
	s30 =	smov.u32 s25  }
0x4f: {  	s25 =	sadd.s32 $0x30, s25;
	s31 =	simm.s32 @!p1 $0x7;
	[sflag:s29] =	ssyncset.done @!p2 $0x0  }
0x50: {  	p4 =	sne.s32 s25, $0xA20;
	[sflag:s29] =	ssyncadd.s32 @!p2 $0xFFFFC000;
	s29 =	simm.s32 @!p2 $0x80  }
0x51: {  	[spmem:s1] =	stream.indirect.scatter.add.f32 @!p2 [tilespmem:s28], [sflag:$0x9], $0x80, s26, s29, $0xb8;
	[tilespmem:$0x1FA00] =	vst v63  }
0x52: {  	s26 =	sadd.s32 s24, s3;
	s24 =	smov.u32 s30;
	_ =	swait.ge @!p1 [sflag:s31], $0x4000  }
0x53: {  	p2 =	sgt.u32 s26, $0x9C3;
	s28 =	sadd.s32 $0x10, s26;
	[sflag:s31] =	ssyncset.done @!p1 $0x0  }
0x54: {  	s29 =	sadd.s32 @!p2 $0xFFFFFE00, s23;
	s30 =	simm.s32 @!p2 $0x0;
	[sflag:s31] =	ssyncadd.s32 @!p1 $0xFFFFC000  }
0x55: {  	[tilespmem:s30], [sflag:$0x1] =	stream.linear.gather @!p2 [hbm4b:s29+s30], $0x80, $0x38;
	[tilespmem:$0x1FA00] =	vst v63  }
0x56: {  	s0 =	simm.s32 @!p2 $0x1;
	s31 =	simm.s32 @!p2 $0x180;
	s29 =	sadd.s32 @!p2 $0xFFFF0000, s22  }
0x57: {  	[tilespmem:s31], [sflag:$0x4] =	stream.linear.gather @!p2 [hbm4b:s29+s30], $0x4000, $0x38;
	[tilespmem:$0x1FA00] =	vst v63  }
0x58: {  	s26 =	sadd.s32 $0x20, s26;
	_ =	swait.ge @!p2 [sflag:s0], $0x80  }
0x59: {  	[sflag:s0] =	ssyncset.done @!p2 $0x0  }
0x5a: {  	[sflag:s0] =	ssyncadd.s32 @!p2 $0xFFFFFF80;
	s0 =	simm.s32 @!p2 $0x4  }
0x5b: {  	_ =	swait.ge @!p2 [sflag:s0], $0x4000  }
0x5c: {  	p1 =	por p6, p3;
	[sflag:s0] =	ssyncset.done @!p2 $0x0  }
0x5d: {  	s29 =	simm.s32 @!p1 $0x8;
	[sflag:s0] =	ssyncadd.s32 @!p2 $0xFFFFC000;
	s0 =	simm.s32 @!p2 $0x80  }
0x5e: {  	[spmem:s1] =	stream.indirect.scatter.add.f32 @!p2 [tilespmem:s31], [sflag:$0x7], $0x80, s30, s0, $0xb8;
	[tilespmem:$0x1FA00] =	vst v63  }
0x5f: {  	_ =	swait.ge @!p1 [sflag:s29], $0x4000  }
0x60: {  	p2 =	sgt.u32 s28, $0x9C3;
	[sflag:s29] =	ssyncset.done @!p1 $0x0  }
0x61: {  	s0 =	sadd.s32 @!p2 $0xFFFFFF00, s23;
	s28 =	simm.s32 @!p2 $0x0;
	[sflag:s29] =	ssyncadd.s32 @!p1 $0xFFFFC000  }
0x62: {  	s29 =	simm.s32 @!p2 $0x80  }
0x63: {  	[tilespmem:s29], [sflag:$0x2] =	stream.linear.gather @!p2 [hbm4b:s0+s28], $0x80, $0x38;
	[tilespmem:$0x1FA00] =	vst v63  }
0x64: {  	s30 =	simm.s32 @!p2 $0x4180;
	s31 =	simm.s32 @!p2 $0x2;
	s0 =	sadd.s32 @!p2 $0xFFFF8000, s22  }
0x65: {  	[tilespmem:s30], [sflag:$0x5] =	stream.linear.gather @!p2 [hbm4b:s0+s28], $0x4000, $0x38;
	[tilespmem:$0x1FA00] =	vst v63  }
0x66: {  	_ =	swait.ge @!p2 [sflag:s31], $0x80  }
0x67: {  	[sflag:s31] =	ssyncset.done @!p2 $0x0  }
0x68: {  	s0 =	simm.s32 @!p2 $0x5;
	[sflag:s31] =	ssyncadd.s32 @!p2 $0xFFFFFF80  }
0x69: {  	_ =	swait.ge @!p2 [sflag:s0], $0x4000  }
0x6a: {  	p1 =	por p5, p3;
	[sflag:s0] =	ssyncset.done @!p2 $0x0  }
0x6b: {  	[sflag:s0] =	ssyncadd.s32 @!p2 $0xFFFFC000;
	s0 =	simm.s32 @!p1 $0x9  }
0x6c: {  	[spmem:s1] =	stream.indirect.scatter.add.f32 @!p2 [tilespmem:s30], [sflag:$0x8], $0x80, s29, s29, $0xb8;
	[tilespmem:$0x1FA00] =	vst v63  }
0x6d: {  	_ =	swait.ge @!p1 [sflag:s0], $0x4000  }
0x6e: {  	p2 =	sgt.u32 s26, $0x9C3;
	[sflag:s0] =	ssyncset.done @!p1 $0x0  }
0x6f: {  	s26 =	simm.s32 @!p2 $0x100;
	[sflag:s0] =	ssyncadd.s32 @!p1 $0xFFFFC000;
	s0 =	simm.s32 @!p2 $0x0  }
0x70: {  	[tilespmem:s26], [sflag:$0x3] =	stream.linear.gather @!p2 [hbm4b:s23+s0], $0x80, $0x38;
	[tilespmem:$0x1FA00] =	vst v63  }
.Ltmp3:
0x71: {  	s28 =	simm.s32 @!p2 $0x8180;
	s30 =	simm.s32 @!p2 $0x3;
	(pc) =	sbr.rel @p4 .LBB2_3-.Ltmp3, $4  }
0x72: {  	[tilespmem:s28], [sflag:$0x6] =	stream.linear.gather @!p2 [hbm4b:s22+s0], $0x4000, $0x38;
	[tilespmem:$0x1FA00] =	vst v63  }
0x73: {  	s23 =	sadd.s32 $0x300, s23;
	s22 =	sadd.s32 $0x18000, s22;
	_ =	swait.ge @!p2 [sflag:s30], $0x80  }
0x74: {  	p3 =	seq.s32 s24, $0x0;
	s29 =	simm.s32 @!p2 $0x6;
	[sflag:s30] =	ssyncset.done @!p2 $0x0  }
0x75: {  	p6 =	sge.u32 @!p3 s24, s12;
	p1 =	sge.u32 @!p3 s24, s11;
	[sflag:s30] =	ssyncadd.s32 @!p2 $0xFFFFFF80  }
0x76: {  	_ =	swait.ge @!p2 [sflag:s29], $0x4000  }
0x77: {  	p4 =	por p1, p3;
	[sflag:s29] =	ssyncset.done @!p2 $0x0  }
0x78: {  	s25 =	simm.s32 @!p2 $0x80;
	s0 =	simm.s32 @!p4 $0x7;
	[sflag:s29] =	ssyncadd.s32 @!p2 $0xFFFFC000  }
0x79: {  	[spmem:s1] =	stream.indirect.scatter.add.f32 @!p2 [tilespmem:s28], [sflag:$0x9], $0x80, s26, s25, $0xb8;
	[tilespmem:$0x1FA00] =	vst v63  }
0x7a: {  	s31 =	sadd.s32 s24, s3;
	_ =	swait.ge @!p4 [sflag:s0], $0x4000  }
0x7b: {  	p1 =	sgt.u32 s31, $0x9C3;
	[sflag:s0] =	ssyncset.done @!p4 $0x0  }
0x7c: {  	s26 =	simm.s32 @!p1 $0x0;
	[sflag:s0] =	ssyncadd.s32 @!p4 $0xFFFFC000;
	s0 =	sadd.s32 @!p1 $0xFFFFFE00, s23  }
0x7d: {  	[tilespmem:s26], [sflag:$0x1] =	stream.linear.gather @!p1 [hbm4b:s0+s26], $0x80, $0x38;
	[tilespmem:$0x1FA00] =	vst v63  }
0x7e: {  	s29 =	simm.s32 @!p1 $0x1;
	s28 =	simm.s32 @!p1 $0x180;
	s0 =	sadd.s32 @!p1 $0xFFFF0000, s22  }
0x7f: {  	[tilespmem:s28], [sflag:$0x4] =	stream.linear.gather @!p1 [hbm4b:s0+s26], $0x4000, $0x38;
	[tilespmem:$0x1FA00] =	vst v63  }
0x80: {  	_ =	swait.ge @!p1 [sflag:s29], $0x80  }
0x81: {  	[sflag:s29] =	ssyncset.done @!p1 $0x0  }
0x82: {  	s0 =	simm.s32 @!p1 $0x4;
	[sflag:s29] =	ssyncadd.s32 @!p1 $0xFFFFFF80  }
0x83: {  	_ =	swait.ge @!p1 [sflag:s0], $0x4000  }
0x84: {  	[sflag:s0] =	ssyncset.done @!p1 $0x0  }
0x85: {  	p2 =	por p6, p3;
	[sflag:s0] =	ssyncadd.s32 @!p1 $0xFFFFC000;
	s0 =	simm.s32 @!p1 $0x80  }
0x86: {  	[spmem:s1] =	stream.indirect.scatter.add.f32 @!p1 [tilespmem:s28], [sflag:$0x7], $0x80, s26, s0, $0xb8;
	[tilespmem:$0x1FA00] =	vst v63  }
0x87: {  	s29 =	simm.s32 @!p2 $0x8;
	s28 =	sadd.s32 $0x10, s31  }
0x88: {  	_ =	swait.ge @!p2 [sflag:s29], $0x4000;
	p1 =	sgt.u32 s28, $0x9C3  }
0x89: {  	[sflag:s29] =	ssyncset.done @!p2 $0x0;
	s0 =	sadd.s32 @!p1 $0xFFFFFF00, s23  }
0x8a: {  	s26 =	simm.s32 @!p1 $0x0;
	s28 =	simm.s32 @!p1 $0x80;
	[sflag:s29] =	ssyncadd.s32 @!p2 $0xFFFFC000  }
0x8b: {  	[tilespmem:s28], [sflag:$0x2] =	stream.linear.gather @!p1 [hbm4b:s0+s26], $0x80, $0x38;
	[tilespmem:$0x1FA00] =	vst v63  }
0x8c: {  	s29 =	simm.s32 @!p1 $0x4180;
	s0 =	sadd.s32 @!p1 $0xFFFF8000, s22  }
0x8d: {  	[tilespmem:s29], [sflag:$0x5] =	stream.linear.gather @!p1 [hbm4b:s0+s26], $0x4000, $0x38;
	[tilespmem:$0x1FA00] =	vst v63  }
0x8e: {  	s0 =	simm.s32 @!p1 $0x2  }
0x8f: {  	_ =	swait.ge @!p1 [sflag:s0], $0x80  }
0x90: {  	[sflag:s0] =	ssyncset.done @!p1 $0x0  }
0x91: {  	[sflag:s0] =	ssyncadd.s32 @!p1 $0xFFFFFF80;
	s0 =	simm.s32 @!p1 $0x5  }
0x92: {  	p2 =	sge.u32 @!p3 s24, s13;
	_ =	swait.ge @!p1 [sflag:s0], $0x4000  }
0x93: {  	p2 =	por p2, p3;
	[sflag:s0] =	ssyncset.done @!p1 $0x0  }
0x94: {  	[sflag:s0] =	ssyncadd.s32 @!p1 $0xFFFFC000;
	s0 =	simm.s32 @!p2 $0x9  }
0x95: {  	[spmem:s1] =	stream.indirect.scatter.add.f32 @!p1 [tilespmem:s29], [sflag:$0x8], $0x80, s28, s28, $0xb8;
	[tilespmem:$0x1FA00] =	vst v63  }
0x96: {  	s30 =	sadd.s32 $0x20, s31;
	_ =	swait.ge @!p2 [sflag:s0], $0x4000  }
0x97: {  	p1 =	sgt.u32 s30, $0x9C3;
	[sflag:s0] =	ssyncset.done @!p2 $0x0  }
0x98: {  	s24 =	simm.s32 @!p1 $0x100;
	[sflag:s0] =	ssyncadd.s32 @!p2 $0xFFFFC000;
	s0 =	simm.s32 @!p1 $0x0  }
0x99: {  	[tilespmem:s24], [sflag:$0x3] =	stream.linear.gather @!p1 [hbm4b:s23+s0], $0x80, $0x38;
	[tilespmem:$0x1FA00] =	vst v63  }
0x9a: {  	s25 =	simm.s32 @!p1 $0x3;
	s23 =	simm.s32 @!p1 $0x8180  }
0x9b: {  	[tilespmem:s23], [sflag:$0x6] =	stream.linear.gather @!p1 [hbm4b:s22+s0], $0x4000, $0x38;
	[tilespmem:$0x1FA00] =	vst v63  }
0x9c: {  	_ =	swait.ge @!p1 [sflag:s25], $0x80  }
0x9d: {  	[sflag:s25] =	ssyncset.done @!p1 $0x0  }
0x9e: {  	s0 =	simm.s32 @!p1 $0x6;
	[sflag:s25] =	ssyncadd.s32 @!p1 $0xFFFFFF80  }
0x9f: {  	_ =	swait.ge @!p1 [sflag:s0], $0x4000  }
0xa0: {  	[sflag:s0] =	ssyncset.done @!p1 $0x0  }
0xa1: {  	[sflag:s0] =	ssyncadd.s32 @!p1 $0xFFFFC000;
	s0 =	simm.s32 @!p1 $0x80  }
0xa2: {  	[spmem:s1] =	stream.indirect.scatter.add.f32 @!p1 [tilespmem:s23], [sflag:$0x9], $0x80, s24, s0, $0xb8;
	[tilespmem:$0x1FA00] =	vst v63  }
0xa3: {  	[bflag:$0x0] =	sbarrier.arrive $0xFFFF  }
0xa4: {  	[hbm:s10], [sflag:s14] =	dma.local [spmem:s19], $0x2700  }
0xa5: {  	_ =	swait.ge [sflag:s20], $0x2700  }
0xa6: {  	s31 =	sld [smem:$0x7FD];
	_ =	sdelay $0x2  }
0xa7: {  	p1 =	seq.s32 s31, $0x1  }
.Ltmp4:
0xa8: {  	_ = 	snop;
	(pc) =	sbr.rel @!p1 .LBB2_9-.Ltmp4, $4  }
.Ltmp5:
0xa9: {  	_ = 	snop;
	(pc) =	sbr.rel @p1 .LBB2_8-.Ltmp5, $4  }
0xaa: {  	_ = 	snop  }
0xab: {  	[sflag:s20] =	ssyncset.done $0x0  }
0xac: {  	s22 =	smov.u32 s4;
	[sflag:s20] =	ssyncadd.s32 $0xFFFFD900  }
0xad: {  	_ = 	snop  }
.LBB2_5:
0xae: {  	[spmem:s21], [sflag:s14] =	dma.local @!p0 [hbm:s8], $0x100  }
0xaf: {  	s22 =	simm.s32 @!p0 $0xA  }
0xb0: {  	p2 =	por $0x1, $0x1;
	_ =	swait.ge @!p0 [sflag:s22], $0x100  }
0xb1: {  	p1 =	sle.u32 @!p2 s11, $0x0;
	[sflag:s22] =	ssyncset.done @!p0 $0x0  }
0xb2: {  	p3 =	por p1, p2;
	[sflag:s22] =	ssyncadd.s32 @!p0 $0xFFFFFF00  }
0xb3: {  	s0 =	simm.s32 @!p3 $0x7;
	[bflag:$0x0] =	sbarrier.arrive $0xFFFF  }
0xb4: {  	s30 =	sadd.s32 $0x0, s3;
	_ =	swait.ge @!p3 [sflag:s0], $0x4000  }
0xb5: {  	p1 =	sgt.u32 s30, $0x9C3;
	[sflag:s0] =	ssyncset.done @!p3 $0x0  }
0xb6: {  	s23 =	simm.s32 @!p1 $0x0;
	[sflag:s0] =	ssyncadd.s32 @!p3 $0xFFFFC000;
	s0 =	sadd.s32 @!p1 $0xFFFFFE00, s15  }
0xb7: {  	[tilespmem:s23], [sflag:$0x1] =	stream.linear.gather @!p1 [hbm4b:s0+s23], $0x80, $0x38;
	[tilespmem:$0x1FA00] =	vst v63  }
0xb8: {  	s24 =	simm.s32 @!p1 $0x180;
	s25 =	simm.s32 @!p1 $0x1;
	s0 =	sadd.s32 @!p1 $0xFFFF0000, s17  }
0xb9: {  	[tilespmem:s24], [sflag:$0x4] =	stream.linear.gather @!p1 [hbm4b:s0+s23], $0x4000, $0x38;
	[tilespmem:$0x1FA00] =	vst v63  }
0xba: {  	_ =	swait.ge @!p1 [sflag:s25], $0x80  }
0xbb: {  	[sflag:s25] =	ssyncset.done @!p1 $0x0  }
0xbc: {  	s0 =	simm.s32 @!p1 $0x4;
	[sflag:s25] =	ssyncadd.s32 @!p1 $0xFFFFFF80  }
0xbd: {  	p3 =	sle.u32 @!p2 s12, $0x0;
	_ =	swait.ge @!p1 [sflag:s0], $0x4000  }
0xbe: {  	s31 =	sadd.s32 $0x10, s30;
	p3 =	por p3, p2;
	[sflag:s0] =	ssyncset.done @!p1 $0x0  }
0xbf: {  	s25 =	simm.s32 @!p3 $0x8;
	[sflag:s0] =	ssyncadd.s32 @!p1 $0xFFFFC000;
	s0 =	simm.s32 @!p1 $0x80  }
0xc0: {  	[spmem:s1] =	stream.indirect.scatter.add.f32 @!p1 [tilespmem:s24], [sflag:$0x7], $0x80, s23, s0, $0xb8;
	[tilespmem:$0x1FA00] =	vst v63  }
0xc1: {  	p1 =	sgt.u32 s31, $0x9C3;
	_ =	swait.ge @!p3 [sflag:s25], $0x4000  }
0xc2: {  	s0 =	sadd.s32 @!p1 $0xFFFFFF00, s15;
	[sflag:s25] =	ssyncset.done @!p3 $0x0  }
0xc3: {  	s23 =	simm.s32 @!p1 $0x0;
	s24 =	simm.s32 @!p1 $0x80;
	[sflag:s25] =	ssyncadd.s32 @!p3 $0xFFFFC000  }
0xc4: {  	[tilespmem:s24], [sflag:$0x2] =	stream.linear.gather @!p1 [hbm4b:s0+s23], $0x80, $0x38;
	[tilespmem:$0x1FA00] =	vst v63  }
0xc5: {  	s26 =	simm.s32 @!p1 $0x2;
	s25 =	simm.s32 @!p1 $0x4180;
	s0 =	sadd.s32 @!p1 $0xFFFF8000, s17  }
0xc6: {  	[tilespmem:s25], [sflag:$0x5] =	stream.linear.gather @!p1 [hbm4b:s0+s23], $0x4000, $0x38;
	[tilespmem:$0x1FA00] =	vst v63  }
0xc7: {  	_ =	swait.ge @!p1 [sflag:s26], $0x80  }
0xc8: {  	[sflag:s26] =	ssyncset.done @!p1 $0x0  }
0xc9: {  	s0 =	simm.s32 @!p1 $0x5;
	[sflag:s26] =	ssyncadd.s32 @!p1 $0xFFFFFF80  }
0xca: {  	p3 =	sle.u32 @!p2 s13, $0x0;
	_ =	swait.ge @!p1 [sflag:s0], $0x4000  }
0xcb: {  	p3 =	por p3, p2;
	[sflag:s0] =	ssyncset.done @!p1 $0x0  }
0xcc: {  	[sflag:s0] =	ssyncadd.s32 @!p1 $0xFFFFC000;
	s0 =	simm.s32 @!p3 $0x9  }
0xcd: {  	[spmem:s1] =	stream.indirect.scatter.add.f32 @!p1 [tilespmem:s25], [sflag:$0x8], $0x80, s24, s24, $0xb8;
	[tilespmem:$0x1FA00] =	vst v63  }
0xce: {  	s22 =	sadd.s32 $0x20, s30;
	_ =	swait.ge @!p3 [sflag:s0], $0x4000  }
0xcf: {  	p2 =	sgt.u32 s22, $0x9C3;
	s22 =	sadd.s32 $0x18000, s17;
	[sflag:s0] =	ssyncset.done @!p3 $0x0  }
0xd0: {  	s26 =	simm.s32 @!p2 $0x100;
	[sflag:s0] =	ssyncadd.s32 @!p3 $0xFFFFC000;
	s0 =	simm.s32 @!p2 $0x0  }
0xd1: {  	[tilespmem:s26], [sflag:$0x3] =	stream.linear.gather @!p2 [hbm4b:s15+s0], $0x80, $0x38;
	[tilespmem:$0x1FA00] =	vst v63  }
0xd2: {  	s28 =	simm.s32 @!p2 $0x8180;
	s30 =	simm.s32 @!p2 $0x3;
	s29 =	simm.s32 @!p2 $0x6  }
0xd3: {  	[tilespmem:s28], [sflag:$0x6] =	stream.linear.gather @!p2 [hbm4b:s17+s0], $0x4000, $0x38;
	[tilespmem:$0x1FA00] =	vst v63  }
0xd4: {  	s23 =	sadd.s32 $0x300, s15;
	s24 =	simm.s32 $0x30;
	_ =	swait.ge @!p2 [sflag:s30], $0x80  }
0xd5: {  	s25 =	simm.s32 $0x60;
	p3 =	por $0x0, $0x0;
	[sflag:s30] =	ssyncset.done @!p2 $0x0  }
0xd6: {  	p1 =	sle.u32 @!p3 s11, $0x30;
	p6 =	sle.u32 @!p3 s12, $0x30;
	[sflag:s30] =	ssyncadd.s32 @!p2 $0xFFFFFF80  }
.LBB2_6:
0xd7: {  	p1 =	por p1, p3  }
0xd8: {  	p5 =	sge.u32 @!p3 s24, s13;
	_ =	swait.ge @!p2 [sflag:s29], $0x4000;
	s0 =	smov.u32 s25  }
0xd9: {  	s25 =	sadd.s32 $0x30, s25;
	s30 =	simm.s32 @!p1 $0x7;
	[sflag:s29] =	ssyncset.done @!p2 $0x0  }
0xda: {  	p4 =	sne.s32 s25, $0xA20;
	[sflag:s29] =	ssyncadd.s32 @!p2 $0xFFFFC000;
	s29 =	simm.s32 @!p2 $0x80  }
0xdb: {  	[spmem:s1] =	stream.indirect.scatter.add.f32 @!p2 [tilespmem:s28], [sflag:$0x9], $0x80, s26, s29, $0xb8;
	[tilespmem:$0x1FA00] =	vst v63  }
0xdc: {  	s26 =	sadd.s32 s24, s3;
	s24 =	smov.u32 s0;
	_ =	swait.ge @!p1 [sflag:s30], $0x4000  }
0xdd: {  	p2 =	sgt.u32 s26, $0x9C3;
	s0 =	sadd.s32 $0x10, s26;
	[sflag:s30] =	ssyncset.done @!p1 $0x0  }
0xde: {  	s28 =	sadd.s32 @!p2 $0xFFFFFE00, s23;
	s29 =	simm.s32 @!p2 $0x0;
	[sflag:s30] =	ssyncadd.s32 @!p1 $0xFFFFC000  }
0xdf: {  	[tilespmem:s29], [sflag:$0x1] =	stream.linear.gather @!p2 [hbm4b:s28+s29], $0x80, $0x38;
	[tilespmem:$0x1FA00] =	vst v63  }
0xe0: {  	s31 =	simm.s32 @!p2 $0x1;
	s30 =	simm.s32 @!p2 $0x180;
	s28 =	sadd.s32 @!p2 $0xFFFF0000, s22  }
0xe1: {  	[tilespmem:s30], [sflag:$0x4] =	stream.linear.gather @!p2 [hbm4b:s28+s29], $0x4000, $0x38;
	[tilespmem:$0x1FA00] =	vst v63  }
0xe2: {  	s26 =	sadd.s32 $0x20, s26;
	_ =	swait.ge @!p2 [sflag:s31], $0x80  }
0xe3: {  	[sflag:s31] =	ssyncset.done @!p2 $0x0  }
0xe4: {  	s28 =	simm.s32 @!p2 $0x4;
	[sflag:s31] =	ssyncadd.s32 @!p2 $0xFFFFFF80  }
0xe5: {  	_ =	swait.ge @!p2 [sflag:s28], $0x4000  }
0xe6: {  	p1 =	por p6, p3;
	[sflag:s28] =	ssyncset.done @!p2 $0x0  }
0xe7: {  	s31 =	simm.s32 @!p1 $0x8;
	[sflag:s28] =	ssyncadd.s32 @!p2 $0xFFFFC000;
	s28 =	simm.s32 @!p2 $0x80  }
0xe8: {  	[spmem:s1] =	stream.indirect.scatter.add.f32 @!p2 [tilespmem:s30], [sflag:$0x7], $0x80, s29, s28, $0xb8;
	[tilespmem:$0x1FA00] =	vst v63  }
0xe9: {  	_ =	swait.ge @!p1 [sflag:s31], $0x4000  }
0xea: {  	p2 =	sgt.u32 s0, $0x9C3;
	[sflag:s31] =	ssyncset.done @!p1 $0x0  }
0xeb: {  	s0 =	sadd.s32 @!p2 $0xFFFFFF00, s23;
	s28 =	simm.s32 @!p2 $0x0;
	[sflag:s31] =	ssyncadd.s32 @!p1 $0xFFFFC000  }
0xec: {  	s29 =	simm.s32 @!p2 $0x80  }
0xed: {  	[tilespmem:s29], [sflag:$0x2] =	stream.linear.gather @!p2 [hbm4b:s0+s28], $0x80, $0x38;
	[tilespmem:$0x1FA00] =	vst v63  }
0xee: {  	s30 =	simm.s32 @!p2 $0x4180;
	s31 =	simm.s32 @!p2 $0x2;
	s0 =	sadd.s32 @!p2 $0xFFFF8000, s22  }
0xef: {  	[tilespmem:s30], [sflag:$0x5] =	stream.linear.gather @!p2 [hbm4b:s0+s28], $0x4000, $0x38;
	[tilespmem:$0x1FA00] =	vst v63  }
0xf0: {  	_ =	swait.ge @!p2 [sflag:s31], $0x80  }
0xf1: {  	[sflag:s31] =	ssyncset.done @!p2 $0x0  }
0xf2: {  	s0 =	simm.s32 @!p2 $0x5;
	[sflag:s31] =	ssyncadd.s32 @!p2 $0xFFFFFF80  }
0xf3: {  	_ =	swait.ge @!p2 [sflag:s0], $0x4000  }
0xf4: {  	p1 =	por p5, p3;
	[sflag:s0] =	ssyncset.done @!p2 $0x0  }
0xf5: {  	[sflag:s0] =	ssyncadd.s32 @!p2 $0xFFFFC000;
	s0 =	simm.s32 @!p1 $0x9  }
0xf6: {  	[spmem:s1] =	stream.indirect.scatter.add.f32 @!p2 [tilespmem:s30], [sflag:$0x8], $0x80, s29, s29, $0xb8;
	[tilespmem:$0x1FA00] =	vst v63  }
0xf7: {  	_ =	swait.ge @!p1 [sflag:s0], $0x4000  }
0xf8: {  	p2 =	sgt.u32 s26, $0x9C3;
	[sflag:s0] =	ssyncset.done @!p1 $0x0  }
0xf9: {  	s26 =	simm.s32 @!p2 $0x100;
	[sflag:s0] =	ssyncadd.s32 @!p1 $0xFFFFC000;
	s0 =	simm.s32 @!p2 $0x0  }
0xfa: {  	[tilespmem:s26], [sflag:$0x3] =	stream.linear.gather @!p2 [hbm4b:s23+s0], $0x80, $0x38;
	[tilespmem:$0x1FA00] =	vst v63  }
.Ltmp6:
0xfb: {  	s28 =	simm.s32 @!p2 $0x8180;
	s30 =	simm.s32 @!p2 $0x3;
	(pc) =	sbr.rel @p4 .LBB2_6-.Ltmp6, $4  }
0xfc: {  	[tilespmem:s28], [sflag:$0x6] =	stream.linear.gather @!p2 [hbm4b:s22+s0], $0x4000, $0x38;
	[tilespmem:$0x1FA00] =	vst v63  }
0xfd: {  	s23 =	sadd.s32 $0x300, s23;
	s22 =	sadd.s32 $0x18000, s22;
	_ =	swait.ge @!p2 [sflag:s30], $0x80  }
0xfe: {  	p3 =	seq.s32 s24, $0x0;
	s29 =	simm.s32 @!p2 $0x6;
	[sflag:s30] =	ssyncset.done @!p2 $0x0  }
0xff: {  	p6 =	sge.u32 @!p3 s24, s12;
	p1 =	sge.u32 @!p3 s24, s11;
	[sflag:s30] =	ssyncadd.s32 @!p2 $0xFFFFFF80  }
0x100: {  	_ =	swait.ge @!p2 [sflag:s29], $0x4000  }
0x101: {  	p4 =	por p1, p3;
	[sflag:s29] =	ssyncset.done @!p2 $0x0  }
0x102: {  	s25 =	simm.s32 @!p2 $0x80;
	s0 =	simm.s32 @!p4 $0x7;
	[sflag:s29] =	ssyncadd.s32 @!p2 $0xFFFFC000  }
0x103: {  	[spmem:s1] =	stream.indirect.scatter.add.f32 @!p2 [tilespmem:s28], [sflag:$0x9], $0x80, s26, s25, $0xb8;
	[tilespmem:$0x1FA00] =	vst v63  }
0x104: {  	s31 =	sadd.s32 s24, s3;
	_ =	swait.ge @!p4 [sflag:s0], $0x4000  }
0x105: {  	p1 =	sgt.u32 s31, $0x9C3;
	[sflag:s0] =	ssyncset.done @!p4 $0x0  }
0x106: {  	s26 =	simm.s32 @!p1 $0x0;
	[sflag:s0] =	ssyncadd.s32 @!p4 $0xFFFFC000;
	s0 =	sadd.s32 @!p1 $0xFFFFFE00, s23  }
0x107: {  	[tilespmem:s26], [sflag:$0x1] =	stream.linear.gather @!p1 [hbm4b:s0+s26], $0x80, $0x38;
	[tilespmem:$0x1FA00] =	vst v63  }
0x108: {  	s29 =	simm.s32 @!p1 $0x1;
	s28 =	simm.s32 @!p1 $0x180;
	s0 =	sadd.s32 @!p1 $0xFFFF0000, s22  }
0x109: {  	[tilespmem:s28], [sflag:$0x4] =	stream.linear.gather @!p1 [hbm4b:s0+s26], $0x4000, $0x38;
	[tilespmem:$0x1FA00] =	vst v63  }
0x10a: {  	_ =	swait.ge @!p1 [sflag:s29], $0x80  }
0x10b: {  	[sflag:s29] =	ssyncset.done @!p1 $0x0  }
0x10c: {  	s0 =	simm.s32 @!p1 $0x4;
	[sflag:s29] =	ssyncadd.s32 @!p1 $0xFFFFFF80  }
0x10d: {  	_ =	swait.ge @!p1 [sflag:s0], $0x4000  }
0x10e: {  	s30 =	sadd.s32 $0x10, s31;
	p2 =	por p6, p3;
	[sflag:s0] =	ssyncset.done @!p1 $0x0  }
0x10f: {  	s29 =	simm.s32 @!p2 $0x8;
	[sflag:s0] =	ssyncadd.s32 @!p1 $0xFFFFC000;
	s0 =	simm.s32 @!p1 $0x80  }
0x110: {  	[spmem:s1] =	stream.indirect.scatter.add.f32 @!p1 [tilespmem:s28], [sflag:$0x7], $0x80, s26, s0, $0xb8;
	[tilespmem:$0x1FA00] =	vst v63  }
0x111: {  	p1 =	sgt.u32 s30, $0x9C3;
	_ =	swait.ge @!p2 [sflag:s29], $0x4000  }
0x112: {  	s0 =	sadd.s32 @!p1 $0xFFFFFF00, s23;
	[sflag:s29] =	ssyncset.done @!p2 $0x0  }
0x113: {  	s26 =	simm.s32 @!p1 $0x0;
	s28 =	simm.s32 @!p1 $0x80;
	[sflag:s29] =	ssyncadd.s32 @!p2 $0xFFFFC000  }
0x114: {  	[tilespmem:s28], [sflag:$0x2] =	stream.linear.gather @!p1 [hbm4b:s0+s26], $0x80, $0x38;
	[tilespmem:$0x1FA00] =	vst v63  }
0x115: {  	s29 =	simm.s32 @!p1 $0x4180;
	s0 =	sadd.s32 @!p1 $0xFFFF8000, s22  }
0x116: {  	[tilespmem:s29], [sflag:$0x5] =	stream.linear.gather @!p1 [hbm4b:s0+s26], $0x4000, $0x38;
	[tilespmem:$0x1FA00] =	vst v63  }
0x117: {  	s0 =	simm.s32 @!p1 $0x2  }
0x118: {  	_ =	swait.ge @!p1 [sflag:s0], $0x80  }
0x119: {  	[sflag:s0] =	ssyncset.done @!p1 $0x0  }
0x11a: {  	[sflag:s0] =	ssyncadd.s32 @!p1 $0xFFFFFF80;
	s0 =	simm.s32 @!p1 $0x5  }
0x11b: {  	p2 =	sge.u32 @!p3 s24, s13;
	_ =	swait.ge @!p1 [sflag:s0], $0x4000  }
0x11c: {  	p2 =	por p2, p3;
	[sflag:s0] =	ssyncset.done @!p1 $0x0  }
0x11d: {  	[sflag:s0] =	ssyncadd.s32 @!p1 $0xFFFFC000;
	s0 =	simm.s32 @!p2 $0x9  }
0x11e: {  	[spmem:s1] =	stream.indirect.scatter.add.f32 @!p1 [tilespmem:s29], [sflag:$0x8], $0x80, s28, s28, $0xb8;
	[tilespmem:$0x1FA00] =	vst v63  }
0x11f: {  	s31 =	sadd.s32 $0x20, s31;
	_ =	swait.ge @!p2 [sflag:s0], $0x4000  }
0x120: {  	p1 =	sgt.u32 s31, $0x9C3;
	[sflag:s0] =	ssyncset.done @!p2 $0x0  }
0x121: {  	s24 =	simm.s32 @!p1 $0x100;
	[sflag:s0] =	ssyncadd.s32 @!p2 $0xFFFFC000;
	s0 =	simm.s32 @!p1 $0x0  }
0x122: {  	[tilespmem:s24], [sflag:$0x3] =	stream.linear.gather @!p1 [hbm4b:s23+s0], $0x80, $0x38;
	[tilespmem:$0x1FA00] =	vst v63  }
0x123: {  	s25 =	simm.s32 @!p1 $0x3;
	s23 =	simm.s32 @!p1 $0x8180  }
0x124: {  	[tilespmem:s23], [sflag:$0x6] =	stream.linear.gather @!p1 [hbm4b:s22+s0], $0x4000, $0x38;
	[tilespmem:$0x1FA00] =	vst v63  }
0x125: {  	_ =	swait.ge @!p1 [sflag:s25], $0x80  }
0x126: {  	[sflag:s25] =	ssyncset.done @!p1 $0x0  }
0x127: {  	s0 =	simm.s32 @!p1 $0x6;
	[sflag:s25] =	ssyncadd.s32 @!p1 $0xFFFFFF80  }
0x128: {  	_ =	swait.ge @!p1 [sflag:s0], $0x4000  }
0x129: {  	[sflag:s0] =	ssyncset.done @!p1 $0x0  }
0x12a: {  	[sflag:s0] =	ssyncadd.s32 @!p1 $0xFFFFC000;
	s0 =	simm.s32 @!p1 $0x80  }
0x12b: {  	[spmem:s1] =	stream.indirect.scatter.add.f32 @!p1 [tilespmem:s23], [sflag:$0x9], $0x80, s24, s0, $0xb8;
	[tilespmem:$0x1FA00] =	vst v63  }
0x12c: {  	[bflag:$0x0] =	sbarrier.arrive $0xFFFF  }
0x12d: {  	[hbm:s9], [sflag:s14] =	dma.local [spmem:s19], $0x2700  }
.Ltmp7:
0x12e: {  	_ = 	snop;
	(pc) =	sbr.rel @p0 .LBB2_9-.Ltmp7, $4  }
.Ltmp8:
0x12f: {  	_ = 	snop;
	(pc) =	sbr.rel @!p0 .LBB2_8-.Ltmp8, $4  }
0x130: {  	_ =	swait.ge [sflag:s20], $0x2700  }
0x131: {  	[sflag:s20] =	ssyncset.done $0x0  }
0x132: {  	s22 =	smov.u32 s5;
	[sflag:s20] =	ssyncadd.s32 $0xFFFFD900  }
0x133: {  	_ = 	snop  }
.LBB2_10:
0x134: {  	_ =	sfence.sel $0x180000  }
0x135: {  	[bflag:$0x0] =	sbarrier.arrive $0xFFFF  }
0x136: {  	_ =	strace $0x9000004A  }
0x137: {  	[bflag:$0x2] =	sbarrier.arrive $0xFFFF  }
0x138: {  	s0 =	rddreg [dreg:$0x3]  }
0x139: {  	s0 =	sadd.s32 @!p0 $0x100000, s0  }
0x13a: {  	[sflag:s0] =	ssyncadd.tile.s32 @!p0 $0x1;
	_ =	shalt  }
.Lfunc_end2:
_tile_overlayer_lowered:
.L_overlay_start_2:
0x13b: {  	(tag) =	ssettag $0x2  }
0x13c: {  	s0 =	rddreg [dreg:$0x0];
	s2 =	stileid.u32  }
0x13d: {  	s1 =	rddreg [dreg:$0x1];
	p0 =	sne.s32 s2, $0x0  }
0x13e: {  	s3 =	rddreg [dreg:$0x2];
	[bflag:$0x3] =	sbarrier.arrive $0xFFFF;
	s2 =	simm.s32 @!p0 $0x1C0A  }
0x13f: {  	[timem:s3], [sflag:s2] =	dma.local @!p0 [hbm:s0], s1  }
0x140: {  	s0 =	simm.s32 @!p0 $0xA  }
0x141: {  	_ =	swait.ge @!p0 [sflag:s0], s1  }
0x142: {  	s1 =	ssub.s32 @!p0 $0x0, s1;
	[sflag:s0] =	ssyncset.done @!p0 $0x0  }
0x143: {  	[sflag:s0] =	ssyncadd.s32 @!p0 s1  }
0x144: {  	[bflag:$0x3] =	sbarrier.arrive $0xFFFF  }
0x145: {  	_ =	shalt  }

</sc_bundles>
